<compile_context>
chip_gen: v7x
topology: tpu7x:2x2x1
jax: 0.10.2.dev20260603
libtpu: 0.0.44.dev20260713+nightly
codegen_flags: <defaults>
</compile_context>

<pallas_src>
import functools

import jax
import jax.numpy as jnp
from jax import lax
from jax.experimental import pallas as pl
from jax.experimental.pallas import tpu as pltpu
from jax.experimental.pallas import tpu_sc as plsc

NC = 2
NS = 16
L = 16
NW = NC * NS


def _relmm_body(feat_ref, w_ref, y_ref):
    y_ref[0] = jnp.dot(feat_ref[...], w_ref[0],
                       preferred_element_type=jnp.float32)


def _rel_matmul(feat, weight, bn):
    n, d = feat.shape
    r = weight.shape[0]
    return pl.pallas_call(
        _relmm_body,
        grid=(n // bn, r),
        in_specs=[
            pl.BlockSpec((bn, d), lambda nb, rb: (nb, 0)),
            pl.BlockSpec((1, d, d), lambda nb, rb: (rb, 0, 0)),
        ],
        out_specs=pl.BlockSpec((1, bn, d), lambda nb, rb: (rb, nb, 0)),
        out_shape=jax.ShapeDtypeStruct((r, n, d), jnp.float32),
    )(feat, weight)


def _add_body(a_ref, b_ref, o_ref):
    o_ref[...] = a_ref[...] + b_ref[...]


def _add_halves(a, b, bn):
    n, d = a.shape
    return pl.pallas_call(
        _add_body,
        grid=(n // bn,),
        in_specs=[
            pl.BlockSpec((bn, d), lambda i: (i, 0)),
            pl.BlockSpec((bn, d), lambda i: (i, 0)),
        ],
        out_specs=pl.BlockSpec((bn, d), lambda i: (i, 0)),
        out_shape=jax.ShapeDtypeStruct((n, d), jnp.float32),
    )(a, b)


def _make_sc_gather_scatter(n, d, ep, c, depth):
    ew = ep // NW
    nchunk = ew // c
    niter = nchunk // depth
    rt = ((-(-n // NS) + 7) // 8) * 8
    npad = rt * NS

    mesh = plsc.VectorSubcoreMesh(core_axis_name="c", subcore_axis_name="s",
                                  num_cores=NC, num_subcores=NS)

    scratch = (
        [pltpu.VMEM((c,), jnp.int32) for _ in range(2 * depth)]
        + [pltpu.VMEM((c, d), jnp.float32) for _ in range(depth)]
        + [pltpu.VMEM_SHARED((npad, d), jnp.float32)]
        + [pltpu.SemaphoreType.DMA for _ in range(3 * depth)]
    )

    @functools.partial(
        pl.kernel,
        out_type=jax.ShapeDtypeStruct((2, npad, d), jnp.float32),
        mesh=mesh,
        scratch_types=scratch,
    )
    def sc_kernel(y_hbm, et_hbm, src_hbm, dst_hbm, zeros_hbm, out_hbm, *sc):
        key = sc[0:depth]
        dst = sc[depth:2 * depth]
        rows = sc[2 * depth:3 * depth]
        acc = sc[3 * depth]
        isem = sc[3 * depth + 1:3 * depth + 1 + depth]
        gsem = sc[3 * depth + 1 + depth:3 * depth + 1 + 2 * depth]
        ssem = sc[3 * depth + 1 + 2 * depth:3 * depth + 1 + 3 * depth]

        ci = lax.axis_index("c")
        si = lax.axis_index("s")
        wid = ci * NS + si
        base = wid * ew

        pltpu.sync_copy(zeros_hbm, acc.at[pl.ds(si * rt, rt)])
        plsc.subcore_barrier()

        def iter_body(p, _):
            i0 = p * depth
            idx_descs = []
            for b in range(depth):
                off = base + (i0 + b) * c
                idx_descs.append((
                    pltpu.async_copy(et_hbm.at[pl.ds(off, c)], key[b], isem[b]),
                    pltpu.async_copy(src_hbm.at[pl.ds(off, c)], dst[b], isem[b]),
                ))
            g_descs = []
            d_descs = []
            for b in range(depth):
                off = base + (i0 + b) * c
                for dsc in idx_descs[b]:
                    dsc.wait()
                for j in range(c // L):
                    sl = pl.ds(j * L, L)
                    key[b][sl] = key[b][sl] * n + dst[b][sl]
                d_descs.append(
                    pltpu.async_copy(dst_hbm.at[pl.ds(off, c)], dst[b],
                                     isem[b]))
                g_descs.append(
                    pltpu.async_copy(y_hbm.at[key[b]], rows[b], gsem[b]))
            s_descs = []
            for b in range(depth):
                g_descs[b].wait()
                d_descs[b].wait()
                s_descs.append(
                    pltpu.async_copy(rows[b], acc.at[dst[b]], ssem[b],
                                     add=True))
            for b in range(depth):
                s_descs[b].wait()
            return 0

        lax.fori_loop(0, niter, iter_body, 0)

        plsc.subcore_barrier()
        pltpu.sync_copy(acc.at[pl.ds(si * rt, rt)],
                        out_hbm.at[ci, pl.ds(si * rt, rt)])

    return sc_kernel


def kernel(feat, edge_index, etypes, E_per_rel, weight):
    n, d = feat.shape
    r = weight.shape[0]
    e = etypes.shape[0]

    y = _rel_matmul(feat, weight, bn=10000).reshape(r * n, d)

    c = 128
    depth = 3
    rt = ((-(-n // NS) + 7) // 8) * 8
    npad = rt * NS
    ewp = -(-e // (NW * depth * c)) * depth * c
    ep = NW * ewp
    pad_src = (jnp.arange(ep - e, dtype=jnp.int32) * 701) % n
    src = jnp.concatenate([edge_index[0], pad_src])
    dst = jnp.pad(edge_index[1], (0, ep - e), constant_values=npad - 1)
    et1 = jnp.pad(etypes, (0, ep - e))
    zeros = jnp.zeros((rt, d), jnp.float32)

    sc = _make_sc_gather_scatter(n, d, ep, c=c, depth=depth)
    partials = sc(y, et1, src, dst, zeros)

    return _add_halves(partials[0, :n], partials[1, :n], bn=10000)

# --- scband reference (transcript-rebuilt; emitter-appended) ---
"""Pipeline reference for scband-rgcngather-mmsorted-13099650253294 (READ-ONLY COPY).

The authoritative reference and input builder live on the scoring server;
editing this copy changes nothing except your own understanding.
"""

import jax, jax.numpy as jnp
import numpy as np

N, E, R, D = 10000, 320000, 16, 128


def setup_inputs(seed: int = 0) -> dict:
    key = jax.random.key(seed)
    k1, k2, k3, k4 = jax.random.split(key, 4)
    feat = jax.random.normal(k1, (N, D), dtype=jnp.float32)
    edge_index = jax.random.randint(k2, (2, E), 0, N, dtype=jnp.int32)
    etypes = jax.random.randint(k3, (E,), 0, R, dtype=jnp.int32)
    # E_per_rel must be the true per-relation edge counts for sorted gather-mm
    E_per_rel = jnp.bincount(etypes, length=R)
    weight = jax.random.normal(k4, (R, D, D), dtype=jnp.float32) * 0.05
    return {"feat": feat, "edge_index": edge_index, "etypes": etypes, "E_per_rel": E_per_rel, "weight": weight}


def reference(feat, edge_index, etypes, E_per_rel, weight):
    # torch.sort(etypes) -> permutation of edges so same-relation edges are contiguous
    order = jnp.argsort(etypes)
    src = edge_index[0][order]
    dst = edge_index[1][order]
    # gather source features (edge_subgraph keeps all nodes, relabel_nodes=False)
    h = jnp.take(feat, src, axis=0)  # [E, D]
    # gather_mm with sortedE=True: segment-wise matmul per relation
    ends = jnp.cumsum(E_per_rel)
    rel_ids = jnp.searchsorted(ends, jnp.arange(h.shape[0]), side="right")
    m = jnp.zeros((h.shape[0], weight.shape[2]), dtype=jnp.float32)
    for r in range(weight.shape[0]):
        m = jnp.where((rel_ids == r)[:, None], h @ weight[r], m)
    # fn.sum('m','h'): scatter-add messages into destination nodes
    out = jnp.zeros((feat.shape[0], weight.shape[2]), dtype=jnp.float32).at[dst].add(m)
    return out

if __name__ == "__main__":
    import jax
    _d = setup_inputs()
    print(jax.jit(kernel)(*tuple(_d.values())))

</pallas_src>

<mosaic_0001>
#map = affine_map<(d0, d1) -> (0, 0)>
#map1 = affine_map<(d0, d1) -> (0)>
#map2 = affine_map<(d0, d1) -> (0, 0, 0)>
module attributes {stable_mosaic.version = 14 : i64} {
  func.func @sc_kernel(%arg0: i32, %arg1: i32, %arg2: memref<160000x128xf32, #tpu.memory_space<hbm>>, %arg3: memref<331776xi32, #tpu.memory_space<hbm>>, %arg4: memref<331776xi32, #tpu.memory_space<hbm>>, %arg5: memref<331776xi32, #tpu.memory_space<hbm>>, %arg6: memref<632x128xf32, #tpu.memory_space<hbm>>, %arg7: memref<2x10112x128xf32, #tpu.memory_space<hbm>>, %arg8: memref<128xi32, #tpu.memory_space<vmem>>, %arg9: memref<128xi32, #tpu.memory_space<vmem>>, %arg10: memref<128xi32, #tpu.memory_space<vmem>>, %arg11: memref<128xi32, #tpu.memory_space<vmem>>, %arg12: memref<128xi32, #tpu.memory_space<vmem>>, %arg13: memref<128xi32, #tpu.memory_space<vmem>>, %arg14: memref<128x128xf32, #tpu.memory_space<vmem>>, %arg15: memref<128x128xf32, #tpu.memory_space<vmem>>, %arg16: memref<128x128xf32, #tpu.memory_space<vmem>>, %arg17: memref<10112x128xf32, #tpu.memory_space<vmem_shared>>, %arg18: memref<!tpu.dma_semaphore, #tpu.memory_space<semaphore_mem>>, %arg19: memref<!tpu.dma_semaphore, #tpu.memory_space<semaphore_mem>>, %arg20: memref<!tpu.dma_semaphore, #tpu.memory_space<semaphore_mem>>, %arg21: memref<!tpu.dma_semaphore, #tpu.memory_space<semaphore_mem>>, %arg22: memref<!tpu.dma_semaphore, #tpu.memory_space<semaphore_mem>>, %arg23: memref<!tpu.dma_semaphore, #tpu.memory_space<semaphore_mem>>, %arg24: memref<!tpu.dma_semaphore, #tpu.memory_space<semaphore_mem>>, %arg25: memref<!tpu.dma_semaphore, #tpu.memory_space<semaphore_mem>>, %arg26: memref<!tpu.dma_semaphore, #tpu.memory_space<semaphore_mem>>) attributes {dimension_semantics = [#tpu.dimension_semantics<core_parallel>, #tpu.dimension_semantics<subcore_parallel>], iteration_bounds = array<i64: 2, 16>, scalar_prefetch = 0 : i64, scratch_operands = 19 : i64, tpu.core_type = #tpu.core_type<sc_vector_subcore>, window_params = [{transform_indices = #map}, {transform_indices = #map1}, {transform_indices = #map1}, {transform_indices = #map1}, {transform_indices = #map}, {transform_indices = #map2}]} {
    %mul3A = arith.constant 16 : i32
    %mul3A_0 = arith.muli %arg0, %mul3A : i32
    %add3A = arith.addi %mul3A_0, %arg1 : i32
    %mul3A_1 = arith.constant 10368 : i32
    %mul3A_2 = arith.muli %add3A, %mul3A_1 : i32
    %mul3A_3 = arith.constant 632 : i32
    %mul3A_4 = arith.muli %arg1, %mul3A_3 : i32
    "tpu.region"() ({
      %run_scoped3A = tpu.sem_alloc : memref<!tpu.dma_semaphore, #tpu.memory_space<semaphore_mem>>
      %dma_start3A = arith.constant 0 : i32
      %dma_start3A_16 = tpu.memref_slice %arg17[%mul3A_4, %dma_start3A] : memref<10112x128xf32, #tpu.memory_space<vmem_shared>> -> memref<632x128xf32, #tpu.memory_space<vmem_shared>>
      tpu.enqueue_dma source(%arg6 : memref<632x128xf32, #tpu.memory_space<hbm>>) target(%dma_start3A_16 : memref<632x128xf32, #tpu.memory_space<vmem_shared>>) target_semaphore(%run_scoped3A : memref<!tpu.dma_semaphore, #tpu.memory_space<semaphore_mem>>)
      %dma_wait3A = arith.constant 0 : i32
      %dma_wait3A_17 = tpu.memref_slice %arg17[%mul3A_4, %dma_wait3A] : memref<10112x128xf32, #tpu.memory_space<vmem_shared>> -> memref<632x128xf32, #tpu.memory_space<vmem_shared>>
      tpu.wait_dma2 semaphore(%run_scoped3A : memref<!tpu.dma_semaphore, #tpu.memory_space<semaphore_mem>>) src(%arg6 : memref<632x128xf32, #tpu.memory_space<hbm>>) dst(%dma_wait3A_17 : memref<632x128xf32, #tpu.memory_space<vmem_shared>>)
      tpu.yield
    }) : () -> ()
    %barrier3A = arith.constant 0 : index
    tpu.barrier barrier_id(%barrier3A)
    %scan3A = arith.constant 0 : i32
    %scan3A_5 = arith.constant 0 : i32
    %scan3A_6 = arith.constant 27 : i32
    %scan3A_7 = arith.addi %scan3A_5, %scan3A_6 : i32
    %scan3A_8 = arith.constant 1 : i32
    %scan3A_9 = scf.for %scan3A_16 = %scan3A_5 to %scan3A_7 step %scan3A_8 iter_args(%scan3A_17 = %scan3A) -> (i32)  : i32 {
      %mul3A_18 = arith.constant 3 : i32
      %mul3A_19 = arith.muli %scan3A_16, %mul3A_18 : i32
      %add3A_20 = arith.constant 0 : i32
      %add3A_21 = arith.addi %mul3A_19, %add3A_20 : i32
      %mul3A_22 = arith.constant 128 : i32
      %mul3A_23 = arith.muli %add3A_21, %mul3A_22 : i32
      %add3A_24 = arith.addi %mul3A_2, %mul3A_23 : i32
      %dma_start3A = tpu.memref_slice %arg3[%add3A_24] : memref<331776xi32, #tpu.memory_space<hbm>> -> memref<128xi32, #tpu.memory_space<hbm>>
      %dma_start3A_25 = tpu.memref_slice %arg3[%add3A_24] : memref<331776xi32, #tpu.memory_space<hbm>> -> memref<128xi32, #tpu.memory_space<hbm>>
      tpu.enqueue_dma source(%dma_start3A_25 : memref<128xi32, #tpu.memory_space<hbm>>) target(%arg8 : memref<128xi32, #tpu.memory_space<vmem>>) target_semaphore(%arg18 : memref<!tpu.dma_semaphore, #tpu.memory_space<semaphore_mem>>)
      %dma_start3A_26 = tpu.memref_slice %arg4[%add3A_24] : memref<331776xi32, #tpu.memory_space<hbm>> -> memref<128xi32, #tpu.memory_space<hbm>>
      %dma_start3A_27 = tpu.memref_slice %arg4[%add3A_24] : memref<331776xi32, #tpu.memory_space<hbm>> -> memref<128xi32, #tpu.memory_space<hbm>>
      tpu.enqueue_dma source(%dma_start3A_27 : memref<128xi32, #tpu.memory_space<hbm>>) target(%arg11 : memref<128xi32, #tpu.memory_space<vmem>>) target_semaphore(%arg18 : memref<!tpu.dma_semaphore, #tpu.memory_space<semaphore_mem>>)
      %add3A_28 = arith.constant 1 : i32
      %add3A_29 = arith.addi %mul3A_19, %add3A_28 : i32
      %mul3A_30 = arith.constant 128 : i32
      %mul3A_31 = arith.muli %add3A_29, %mul3A_30 : i32
      %add3A_32 = arith.addi %mul3A_2, %mul3A_31 : i32
      %dma_start3A_33 = tpu.memref_slice %arg3[%add3A_32] : memref<331776xi32, #tpu.memory_space<hbm>> -> memref<128xi32, #tpu.memory_space<hbm>>
      %dma_start3A_34 = tpu.memref_slice %arg3[%add3A_32] : memref<331776xi32, #tpu.memory_space<hbm>> -> memref<128xi32, #tpu.memory_space<hbm>>
      tpu.enqueue_dma source(%dma_start3A_34 : memref<128xi32, #tpu.memory_space<hbm>>) target(%arg9 : memref<128xi32, #tpu.memory_space<vmem>>) target_semaphore(%arg19 : memref<!tpu.dma_semaphore, #tpu.memory_space<semaphore_mem>>)
      %dma_start3A_35 = tpu.memref_slice %arg4[%add3A_32] : memref<331776xi32, #tpu.memory_space<hbm>> -> memref<128xi32, #tpu.memory_space<hbm>>
      %dma_start3A_36 = tpu.memref_slice %arg4[%add3A_32] : memref<331776xi32, #tpu.memory_space<hbm>> -> memref<128xi32, #tpu.memory_space<hbm>>
      tpu.enqueue_dma source(%dma_start3A_36 : memref<128xi32, #tpu.memory_space<hbm>>) target(%arg12 : memref<128xi32, #tpu.memory_space<vmem>>) target_semaphore(%arg19 : memref<!tpu.dma_semaphore, #tpu.memory_space<semaphore_mem>>)
      %add3A_37 = arith.constant 2 : i32
      %add3A_38 = arith.addi %mul3A_19, %add3A_37 : i32
      %mul3A_39 = arith.constant 128 : i32
      %mul3A_40 = arith.muli %add3A_38, %mul3A_39 : i32
      %add3A_41 = arith.addi %mul3A_2, %mul3A_40 : i32
      %dma_start3A_42 = tpu.memref_slice %arg3[%add3A_41] : memref<331776xi32, #tpu.memory_space<hbm>> -> memref<128xi32, #tpu.memory_space<hbm>>
      %dma_start3A_43 = tpu.memref_slice %arg3[%add3A_41] : memref<331776xi32, #tpu.memory_space<hbm>> -> memref<128xi32, #tpu.memory_space<hbm>>
      tpu.enqueue_dma source(%dma_start3A_43 : memref<128xi32, #tpu.memory_space<hbm>>) target(%arg10 : memref<128xi32, #tpu.memory_space<vmem>>) target_semaphore(%arg20 : memref<!tpu.dma_semaphore, #tpu.memory_space<semaphore_mem>>)
      %dma_start3A_44 = tpu.memref_slice %arg4[%add3A_41] : memref<331776xi32, #tpu.memory_space<hbm>> -> memref<128xi32, #tpu.memory_space<hbm>>
      %dma_start3A_45 = tpu.memref_slice %arg4[%add3A_41] : memref<331776xi32, #tpu.memory_space<hbm>> -> memref<128xi32, #tpu.memory_space<hbm>>
      tpu.enqueue_dma source(%dma_start3A_45 : memref<128xi32, #tpu.memory_space<hbm>>) target(%arg13 : memref<128xi32, #tpu.memory_space<vmem>>) target_semaphore(%arg20 : memref<!tpu.dma_semaphore, #tpu.memory_space<semaphore_mem>>)
      %add3A_46 = arith.constant 0 : i32
      %add3A_47 = arith.addi %mul3A_19, %add3A_46 : i32
      %mul3A_48 = arith.constant 128 : i32
      %mul3A_49 = arith.muli %add3A_47, %mul3A_48 : i32
      %add3A_50 = arith.addi %mul3A_2, %mul3A_49 : i32
      %dma_wait3A = tpu.memref_slice %arg3[%add3A_24] : memref<331776xi32, #tpu.memory_space<hbm>> -> memref<128xi32, #tpu.memory_space<hbm>>
      %dma_wait3A_51 = tpu.memref_slice %arg3[%add3A_24] : memref<331776xi32, #tpu.memory_space<hbm>> -> memref<128xi32, #tpu.memory_space<hbm>>
      tpu.wait_dma2 semaphore(%arg18 : memref<!tpu.dma_semaphore, #tpu.memory_space<semaphore_mem>>) src(%dma_wait3A_51 : memref<128xi32, #tpu.memory_space<hbm>>) dst(%arg8 : memref<128xi32, #tpu.memory_space<vmem>>)
      %dma_wait3A_52 = tpu.memref_slice %arg4[%add3A_24] : memref<331776xi32, #tpu.memory_space<hbm>> -> memref<128xi32, #tpu.memory_space<hbm>>
      %dma_wait3A_53 = tpu.memref_slice %arg4[%add3A_24] : memref<331776xi32, #tpu.memory_space<hbm>> -> memref<128xi32, #tpu.memory_space<hbm>>
      tpu.wait_dma2 semaphore(%arg18 : memref<!tpu.dma_semaphore, #tpu.memory_space<semaphore_mem>>) src(%dma_wait3A_53 : memref<128xi32, #tpu.memory_space<hbm>>) dst(%arg11 : memref<128xi32, #tpu.memory_space<vmem>>)
      %get3A = arith.constant 0 : index
      %get3A_54 = tpu.vector_load %arg8[%get3A] {strides = array<i32>} : memref<128xi32, #tpu.memory_space<vmem>>, vector<16xi32>,
      %get3A_55 = vector.shape_cast %get3A_54 : vector<16xi32> to vector<16xi32>
      %mul3A_56 = arith.constant 10000 : i32
      %mul3A_57 = vector.broadcast %mul3A_56 : i32 to vector<16xi32>
      %mul3A_58 = arith.muli %get3A_55, %mul3A_57 : vector<16xi32>
      %get3A_59 = arith.constant 0 : index
      %get3A_60 = tpu.vector_load %arg11[%get3A_59] {strides = array<i32>} : memref<128xi32, #tpu.memory_space<vmem>>, vector<16xi32>,
      %get3A_61 = vector.shape_cast %get3A_60 : vector<16xi32> to vector<16xi32>
      %add3A_62 = arith.addi %mul3A_58, %get3A_61 : vector<16xi32>
      %swap3A = arith.constant 0 : index
      %swap3A_63 = tpu.vector_load %arg8[%swap3A] {strides = array<i32>} : memref<128xi32, #tpu.memory_space<vmem>>, vector<16xi32>,
      %swap3A_64 = vector.shape_cast %swap3A_63 : vector<16xi32> to vector<16xi32>
      %swap3A_65 = vector.shape_cast %add3A_62 : vector<16xi32> to vector<16xi32>
      tpu.vector_store %arg8[%swap3A], %swap3A_65 {strides = array<i32>} : memref<128xi32, #tpu.memory_space<vmem>>, vector<16xi32>,
      %get3A_66 = arith.constant 16 : index
      %get3A_67 = tpu.vector_load %arg8[%get3A_66] {strides = array<i32>} : memref<128xi32, #tpu.memory_space<vmem>>, vector<16xi32>,
      %get3A_68 = vector.shape_cast %get3A_67 : vector<16xi32> to vector<16xi32>
      %mul3A_69 = arith.constant 10000 : i32
      %mul3A_70 = vector.broadcast %mul3A_69 : i32 to vector<16xi32>
      %mul3A_71 = arith.muli %get3A_68, %mul3A_70 : vector<16xi32>
      %get3A_72 = arith.constant 16 : index
      %get3A_73 = tpu.vector_load %arg11[%get3A_72] {strides = array<i32>} : memref<128xi32, #tpu.memory_space<vmem>>, vector<16xi32>,
      %get3A_74 = vector.shape_cast %get3A_73 : vector<16xi32> to vector<16xi32>
      %add3A_75 = arith.addi %mul3A_71, %get3A_74 : vector<16xi32>
      %swap3A_76 = arith.constant 16 : index
      %swap3A_77 = tpu.vector_load %arg8[%swap3A_76] {strides = array<i32>} : memref<128xi32, #tpu.memory_space<vmem>>, vector<16xi32>,
      %swap3A_78 = vector.shape_cast %swap3A_77 : vector<16xi32> to vector<16xi32>
      %swap3A_79 = vector.shape_cast %add3A_75 : vector<16xi32> to vector<16xi32>
      tpu.vector_store %arg8[%swap3A_76], %swap3A_79 {strides = array<i32>} : memref<128xi32, #tpu.memory_space<vmem>>, vector<16xi32>,
      %get3A_80 = arith.constant 32 : index
      %get3A_81 = tpu.vector_load %arg8[%get3A_80] {strides = array<i32>} : memref<128xi32, #tpu.memory_space<vmem>>, vector<16xi32>,
      %get3A_82 = vector.shape_cast %get3A_81 : vector<16xi32> to vector<16xi32>
      %mul3A_83 = arith.constant 10000 : i32
      %mul3A_84 = vector.broadcast %mul3A_83 : i32 to vector<16xi32>
      %mul3A_85 = arith.muli %get3A_82, %mul3A_84 : vector<16xi32>
      %get3A_86 = arith.constant 32 : index
      %get3A_87 = tpu.vector_load %arg11[%get3A_86] {strides = array<i32>} : memref<128xi32, #tpu.memory_space<vmem>>, vector<16xi32>,
      %get3A_88 = vector.shape_cast %get3A_87 : vector<16xi32> to vector<16xi32>
      %add3A_89 = arith.addi %mul3A_85, %get3A_88 : vector<16xi32>
      %swap3A_90 = arith.constant 32 : index
      %swap3A_91 = tpu.vector_load %arg8[%swap3A_90] {strides = array<i32>} : memref<128xi32, #tpu.memory_space<vmem>>, vector<16xi32>,
      %swap3A_92 = vector.shape_cast %swap3A_91 : vector<16xi32> to vector<16xi32>
      %swap3A_93 = vector.shape_cast %add3A_89 : vector<16xi32> to vector<16xi32>
      tpu.vector_store %arg8[%swap3A_90], %swap3A_93 {strides = array<i32>} : memref<128xi32, #tpu.memory_space<vmem>>, vector<16xi32>,
      %get3A_94 = arith.constant 48 : index
      %get3A_95 = tpu.vector_load %arg8[%get3A_94] {strides = array<i32>} : memref<128xi32, #tpu.memory_space<vmem>>, vector<16xi32>,
      %get3A_96 = vector.shape_cast %get3A_95 : vector<16xi32> to vector<16xi32>
      %mul3A_97 = arith.constant 10000 : i32
      %mul3A_98 = vector.broadcast %mul3A_97 : i32 to vector<16xi32>
      %mul3A_99 = arith.muli %get3A_96, %mul3A_98 : vector<16xi32>
      %get3A_100 = arith.constant 48 : index
      %get3A_101 = tpu.vector_load %arg11[%get3A_100] {strides = array<i32>} : memref<128xi32, #tpu.memory_space<vmem>>, vector<16xi32>,
      %get3A_102 = vector.shape_cast %get3A_101 : vector<16xi32> to vector<16xi32>
      %add3A_103 = arith.addi %mul3A_99, %get3A_102 : vector<16xi32>
      %swap3A_104 = arith.constant 48 : index
      %swap3A_105 = tpu.vector_load %arg8[%swap3A_104] {strides = array<i32>} : memref<128xi32, #tpu.memory_space<vmem>>, vector<16xi32>,
      %swap3A_106 = vector.shape_cast %swap3A_105 : vector<16xi32> to vector<16xi32>
      %swap3A_107 = vector.shape_cast %add3A_103 : vector<16xi32> to vector<16xi32>
      tpu.vector_store %arg8[%swap3A_104], %swap3A_107 {strides = array<i32>} : memref<128xi32, #tpu.memory_space<vmem>>, vector<16xi32>,
      %get3A_108 = arith.constant 64 : index
      %get3A_109 = tpu.vector_load %arg8[%get3A_108] {strides = array<i32>} : memref<128xi32, #tpu.memory_space<vmem>>, vector<16xi32>,
      %get3A_110 = vector.shape_cast %get3A_109 : vector<16xi32> to vector<16xi32>
      %mul3A_111 = arith.constant 10000 : i32
      %mul3A_112 = vector.broadcast %mul3A_111 : i32 to vector<16xi32>
      %mul3A_113 = arith.muli %get3A_110, %mul3A_112 : vector<16xi32>
      %get3A_114 = arith.constant 64 : index
      %get3A_115 = tpu.vector_load %arg11[%get3A_114] {strides = array<i32>} : memref<128xi32, #tpu.memory_space<vmem>>, vector<16xi32>,
      %get3A_116 = vector.shape_cast %get3A_115 : vector<16xi32> to vector<16xi32>
      %add3A_117 = arith.addi %mul3A_113, %get3A_116 : vector<16xi32>
      %swap3A_118 = arith.constant 64 : index
      %swap3A_119 = tpu.vector_load %arg8[%swap3A_118] {strides = array<i32>} : memref<128xi32, #tpu.memory_space<vmem>>, vector<16xi32>,
      %swap3A_120 = vector.shape_cast %swap3A_119 : vector<16xi32> to vector<16xi32>
      %swap3A_121 = vector.shape_cast %add3A_117 : vector<16xi32> to vector<16xi32>
      tpu.vector_store %arg8[%swap3A_118], %swap3A_121 {strides = array<i32>} : memref<128xi32, #tpu.memory_space<vmem>>, vector<16xi32>,
      %get3A_122 = arith.constant 80 : index
      %get3A_123 = tpu.vector_load %arg8[%get3A_122] {strides = array<i32>} : memref<128xi32, #tpu.memory_space<vmem>>, vector<16xi32>,
      %get3A_124 = vector.shape_cast %get3A_123 : vector<16xi32> to vector<16xi32>
      %mul3A_125 = arith.constant 10000 : i32
      %mul3A_126 = vector.broadcast %mul3A_125 : i32 to vector<16xi32>
      %mul3A_127 = arith.muli %get3A_124, %mul3A_126 : vector<16xi32>
      %get3A_128 = arith.constant 80 : index
      %get3A_129 = tpu.vector_load %arg11[%get3A_128] {strides = array<i32>} : memref<128xi32, #tpu.memory_space<vmem>>, vector<16xi32>,
      %get3A_130 = vector.shape_cast %get3A_129 : vector<16xi32> to vector<16xi32>
      %add3A_131 = arith.addi %mul3A_127, %get3A_130 : vector<16xi32>
      %swap3A_132 = arith.constant 80 : index
      %swap3A_133 = tpu.vector_load %arg8[%swap3A_132] {strides = array<i32>} : memref<128xi32, #tpu.memory_space<vmem>>, vector<16xi32>,
      %swap3A_134 = vector.shape_cast %swap3A_133 : vector<16xi32> to vector<16xi32>
      %swap3A_135 = vector.shape_cast %add3A_131 : vector<16xi32> to vector<16xi32>
      tpu.vector_store %arg8[%swap3A_132], %swap3A_135 {strides = array<i32>} : memref<128xi32, #tpu.memory_space<vmem>>, vector<16xi32>,
      %get3A_136 = arith.constant 96 : index
      %get3A_137 = tpu.vector_load %arg8[%get3A_136] {strides = array<i32>} : memref<128xi32, #tpu.memory_space<vmem>>, vector<16xi32>,
      %get3A_138 = vector.shape_cast %get3A_137 : vector<16xi32> to vector<16xi32>
      %mul3A_139 = arith.constant 10000 : i32
      %mul3A_140 = vector.broadcast %mul3A_139 : i32 to vector<16xi32>
      %mul3A_141 = arith.muli %get3A_138, %mul3A_140 : vector<16xi32>
      %get3A_142 = arith.constant 96 : index
      %get3A_143 = tpu.vector_load %arg11[%get3A_142] {strides = array<i32>} : memref<128xi32, #tpu.memory_space<vmem>>, vector<16xi32>,
      %get3A_144 = vector.shape_cast %get3A_143 : vector<16xi32> to vector<16xi32>
      %add3A_145 = arith.addi %mul3A_141, %get3A_144 : vector<16xi32>
      %swap3A_146 = arith.constant 96 : index
      %swap3A_147 = tpu.vector_load %arg8[%swap3A_146] {strides = array<i32>} : memref<128xi32, #tpu.memory_space<vmem>>, vector<16xi32>,
      %swap3A_148 = vector.shape_cast %swap3A_147 : vector<16xi32> to vector<16xi32>
      %swap3A_149 = vector.shape_cast %add3A_145 : vector<16xi32> to vector<16xi32>
      tpu.vector_store %arg8[%swap3A_146], %swap3A_149 {strides = array<i32>} : memref<128xi32, #tpu.memory_space<vmem>>, vector<16xi32>,
      %get3A_150 = arith.constant 112 : index
      %get3A_151 = tpu.vector_load %arg8[%get3A_150] {strides = array<i32>} : memref<128xi32, #tpu.memory_space<vmem>>, vector<16xi32>,
      %get3A_152 = vector.shape_cast %get3A_151 : vector<16xi32> to vector<16xi32>
      %mul3A_153 = arith.constant 10000 : i32
      %mul3A_154 = vector.broadcast %mul3A_153 : i32 to vector<16xi32>
      %mul3A_155 = arith.muli %get3A_152, %mul3A_154 : vector<16xi32>
      %get3A_156 = arith.constant 112 : index
      %get3A_157 = tpu.vector_load %arg11[%get3A_156] {strides = array<i32>} : memref<128xi32, #tpu.memory_space<vmem>>, vector<16xi32>,
      %get3A_158 = vector.shape_cast %get3A_157 : vector<16xi32> to vector<16xi32>
      %add3A_159 = arith.addi %mul3A_155, %get3A_158 : vector<16xi32>
      %swap3A_160 = arith.constant 112 : index
      %swap3A_161 = tpu.vector_load %arg8[%swap3A_160] {strides = array<i32>} : memref<128xi32, #tpu.memory_space<vmem>>, vector<16xi32>,
      %swap3A_162 = vector.shape_cast %swap3A_161 : vector<16xi32> to vector<16xi32>
      %swap3A_163 = vector.shape_cast %add3A_159 : vector<16xi32> to vector<16xi32>
      tpu.vector_store %arg8[%swap3A_160], %swap3A_163 {strides = array<i32>} : memref<128xi32, #tpu.memory_space<vmem>>, vector<16xi32>,
      %dma_start3A_164 = tpu.memref_slice %arg5[%add3A_50] : memref<331776xi32, #tpu.memory_space<hbm>> -> memref<128xi32, #tpu.memory_space<hbm>>
      %dma_start3A_165 = tpu.memref_slice %arg5[%add3A_50] : memref<331776xi32, #tpu.memory_space<hbm>> -> memref<128xi32, #tpu.memory_space<hbm>>
      tpu.enqueue_dma source(%dma_start3A_165 : memref<128xi32, #tpu.memory_space<hbm>>) target(%arg11 : memref<128xi32, #tpu.memory_space<vmem>>) target_semaphore(%arg18 : memref<!tpu.dma_semaphore, #tpu.memory_space<semaphore_mem>>)
      %dma_start3A_166 = arith.constant 0 : i32
      %dma_start3A_167 = arith.constant 0 : i32
      %dma_start3A_168 = tpu.memref_slice %arg2[%dma_start3A_166, %dma_start3A_167] : memref<160000x128xf32, #tpu.memory_space<hbm>> -> memref<160000x128xf32, #tpu.memory_space<hbm>>
      tpu.enqueue_indirect_dma source(%dma_start3A_168 : memref<160000x128xf32, #tpu.memory_space<hbm>>) target(%arg14 : memref<128x128xf32, #tpu.memory_space<vmem>>) offsets(%arg8 : memref<128xi32, #tpu.memory_space<vmem>>) semaphore(%arg21 : memref<!tpu.dma_semaphore, #tpu.memory_space<semaphore_mem>>)
      %add3A_169 = arith.constant 1 : i32
      %add3A_170 = arith.addi %mul3A_19, %add3A_169 : i32
      %mul3A_171 = arith.constant 128 : i32
      %mul3A_172 = arith.muli %add3A_170, %mul3A_171 : i32
      %add3A_173 = arith.addi %mul3A_2, %mul3A_172 : i32
      %dma_wait3A_174 = tpu.memref_slice %arg3[%add3A_32] : memref<331776xi32, #tpu.memory_space<hbm>> -> memref<128xi32, #tpu.memory_space<hbm>>
      %dma_wait3A_175 = tpu.memref_slice %arg3[%add3A_32] : memref<331776xi32, #tpu.memory_space<hbm>> -> memref<128xi32, #tpu.memory_space<hbm>>
      tpu.wait_dma2 semaphore(%arg19 : memref<!tpu.dma_semaphore, #tpu.memory_space<semaphore_mem>>) src(%dma_wait3A_175 : memref<128xi32, #tpu.memory_space<hbm>>) dst(%arg9 : memref<128xi32, #tpu.memory_space<vmem>>)
      %dma_wait3A_176 = tpu.memref_slice %arg4[%add3A_32] : memref<331776xi32, #tpu.memory_space<hbm>> -> memref<128xi32, #tpu.memory_space<hbm>>
      %dma_wait3A_177 = tpu.memref_slice %arg4[%add3A_32] : memref<331776xi32, #tpu.memory_space<hbm>> -> memref<128xi32, #tpu.memory_space<hbm>>
      tpu.wait_dma2 semaphore(%arg19 : memref<!tpu.dma_semaphore, #tpu.memory_space<semaphore_mem>>) src(%dma_wait3A_177 : memref<128xi32, #tpu.memory_space<hbm>>) dst(%arg12 : memref<128xi32, #tpu.memory_space<vmem>>)
      %get3A_178 = arith.constant 0 : index
      %get3A_179 = tpu.vector_load %arg9[%get3A_178] {strides = array<i32>} : memref<128xi32, #tpu.memory_space<vmem>>, vector<16xi32>,
      %get3A_180 = vector.shape_cast %get3A_179 : vector<16xi32> to vector<16xi32>
      %mul3A_181 = arith.constant 10000 : i32
      %mul3A_182 = vector.broadcast %mul3A_181 : i32 to vector<16xi32>
      %mul3A_183 = arith.muli %get3A_180, %mul3A_182 : vector<16xi32>
      %get3A_184 = arith.constant 0 : index
      %get3A_185 = tpu.vector_load %arg12[%get3A_184] {strides = array<i32>} : memref<128xi32, #tpu.memory_space<vmem>>, vector<16xi32>,
      %get3A_186 = vector.shape_cast %get3A_185 : vector<16xi32> to vector<16xi32>
      %add3A_187 = arith.addi %mul3A_183, %get3A_186 : vector<16xi32>
      %swap3A_188 = arith.constant 0 : index
      %swap3A_189 = tpu.vector_load %arg9[%swap3A_188] {strides = array<i32>} : memref<128xi32, #tpu.memory_space<vmem>>, vector<16xi32>,
      %swap3A_190 = vector.shape_cast %swap3A_189 : vector<16xi32> to vector<16xi32>
      %swap3A_191 = vector.shape_cast %add3A_187 : vector<16xi32> to vector<16xi32>
      tpu.vector_store %arg9[%swap3A_188], %swap3A_191 {strides = array<i32>} : memref<128xi32, #tpu.memory_space<vmem>>, vector<16xi32>,
      %get3A_192 = arith.constant 16 : index
      %get3A_193 = tpu.vector_load %arg9[%get3A_192] {strides = array<i32>} : memref<128xi32, #tpu.memory_space<vmem>>, vector<16xi32>,
      %get3A_194 = vector.shape_cast %get3A_193 : vector<16xi32> to vector<16xi32>
      %mul3A_195 = arith.constant 10000 : i32
      %mul3A_196 = vector.broadcast %mul3A_195 : i32 to vector<16xi32>
      %mul3A_197 = arith.muli %get3A_194, %mul3A_196 : vector<16xi32>
      %get3A_198 = arith.constant 16 : index
      %get3A_199 = tpu.vector_load %arg12[%get3A_198] {strides = array<i32>} : memref<128xi32, #tpu.memory_space<vmem>>, vector<16xi32>,
      %get3A_200 = vector.shape_cast %get3A_199 : vector<16xi32> to vector<16xi32>
      %add3A_201 = arith.addi %mul3A_197, %get3A_200 : vector<16xi32>
      %swap3A_202 = arith.constant 16 : index
      %swap3A_203 = tpu.vector_load %arg9[%swap3A_202] {strides = array<i32>} : memref<128xi32, #tpu.memory_space<vmem>>, vector<16xi32>,
      %swap3A_204 = vector.shape_cast %swap3A_203 : vector<16xi32> to vector<16xi32>
      %swap3A_205 = vector.shape_cast %add3A_201 : vector<16xi32> to vector<16xi32>
      tpu.vector_store %arg9[%swap3A_202], %swap3A_205 {strides = array<i32>} : memref<128xi32, #tpu.memory_space<vmem>>, vector<16xi32>,
      %get3A_206 = arith.constant 32 : index
      %get3A_207 = tpu.vector_load %arg9[%get3A_206] {strides = array<i32>} : memref<128xi32, #tpu.memory_space<vmem>>, vector<16xi32>,
      %get3A_208 = vector.shape_cast %get3A_207 : vector<16xi32> to vector<16xi32>
      %mul3A_209 = arith.constant 10000 : i32
      %mul3A_210 = vector.broadcast %mul3A_209 : i32 to vector<16xi32>
      %mul3A_211 = arith.muli %get3A_208, %mul3A_210 : vector<16xi32>
      %get3A_212 = arith.constant 32 : index
      %get3A_213 = tpu.vector_load %arg12[%get3A_212] {strides = array<i32>} : memref<128xi32, #tpu.memory_space<vmem>>, vector<16xi32>,
      %get3A_214 = vector.shape_cast %get3A_213 : vector<16xi32> to vector<16xi32>
      %add3A_215 = arith.addi %mul3A_211, %get3A_214 : vector<16xi32>
      %swap3A_216 = arith.constant 32 : index
      %swap3A_217 = tpu.vector_load %arg9[%swap3A_216] {strides = array<i32>} : memref<128xi32, #tpu.memory_space<vmem>>, vector<16xi32>,
      %swap3A_218 = vector.shape_cast %swap3A_217 : vector<16xi32> to vector<16xi32>
      %swap3A_219 = vector.shape_cast %add3A_215 : vector<16xi32> to vector<16xi32>
      tpu.vector_store %arg9[%swap3A_216], %swap3A_219 {strides = array<i32>} : memref<128xi32, #tpu.memory_space<vmem>>, vector<16xi32>,
      %get3A_220 = arith.constant 48 : index
      %get3A_221 = tpu.vector_load %arg9[%get3A_220] {strides = array<i32>} : memref<128xi32, #tpu.memory_space<vmem>>, vector<16xi32>,
      %get3A_222 = vector.shape_cast %get3A_221 : vector<16xi32> to vector<16xi32>
      %mul3A_223 = arith.constant 10000 : i32
      %mul3A_224 = vector.broadcast %mul3A_223 : i32 to vector<16xi32>
      %mul3A_225 = arith.muli %get3A_222, %mul3A_224 : vector<16xi32>
      %get3A_226 = arith.constant 48 : index
      %get3A_227 = tpu.vector_load %arg12[%get3A_226] {strides = array<i32>} : memref<128xi32, #tpu.memory_space<vmem>>, vector<16xi32>,
      %get3A_228 = vector.shape_cast %get3A_227 : vector<16xi32> to vector<16xi32>
      %add3A_229 = arith.addi %mul3A_225, %get3A_228 : vector<16xi32>
      %swap3A_230 = arith.constant 48 : index
      %swap3A_231 = tpu.vector_load %arg9[%swap3A_230] {strides = array<i32>} : memref<128xi32, #tpu.memory_space<vmem>>, vector<16xi32>,
      %swap3A_232 = vector.shape_cast %swap3A_231 : vector<16xi32> to vector<16xi32>
      %swap3A_233 = vector.shape_cast %add3A_229 : vector<16xi32> to vector<16xi32>
      tpu.vector_store %arg9[%swap3A_230], %swap3A_233 {strides = array<i32>} : memref<128xi32, #tpu.memory_space<vmem>>, vector<16xi32>,
      %get3A_234 = arith.constant 64 : index
      %get3A_235 = tpu.vector_load %arg9[%get3A_234] {strides = array<i32>} : memref<128xi32, #tpu.memory_space<vmem>>, vector<16xi32>,
      %get3A_236 = vector.shape_cast %get3A_235 : vector<16xi32> to vector<16xi32>
      %mul3A_237 = arith.constant 10000 : i32
      %mul3A_238 = vector.broadcast %mul3A_237 : i32 to vector<16xi32>
      %mul3A_239 = arith.muli %get3A_236, %mul3A_238 : vector<16xi32>
      %get3A_240 = arith.constant 64 : index
      %get3A_241 = tpu.vector_load %arg12[%get3A_240] {strides = array<i32>} : memref<128xi32, #tpu.memory_space<vmem>>, vector<16xi32>,
      %get3A_242 = vector.shape_cast %get3A_241 : vector<16xi32> to vector<16xi32>
      %add3A_243 = arith.addi %mul3A_239, %get3A_242 : vector<16xi32>
      %swap3A_244 = arith.constant 64 : index
      %swap3A_245 = tpu.vector_load %arg9[%swap3A_244] {strides = array<i32>} : memref<128xi32, #tpu.memory_space<vmem>>, vector<16xi32>,
      %swap3A_246 = vector.shape_cast %swap3A_245 : vector<16xi32> to vector<16xi32>
      %swap3A_247 = vector.shape_cast %add3A_243 : vector<16xi32> to vector<16xi32>
      tpu.vector_store %arg9[%swap3A_244], %swap3A_247 {strides = array<i32>} : memref<128xi32, #tpu.memory_space<vmem>>, vector<16xi32>,
      %get3A_248 = arith.constant 80 : index
      %get3A_249 = tpu.vector_load %arg9[%get3A_248] {strides = array<i32>} : memref<128xi32, #tpu.memory_space<vmem>>, vector<16xi32>,
      %get3A_250 = vector.shape_cast %get3A_249 : vector<16xi32> to vector<16xi32>
      %mul3A_251 = arith.constant 10000 : i32
      %mul3A_252 = vector.broadcast %mul3A_251 : i32 to vector<16xi32>
      %mul3A_253 = arith.muli %get3A_250, %mul3A_252 : vector<16xi32>
      %get3A_254 = arith.constant 80 : index
      %get3A_255 = tpu.vector_load %arg12[%get3A_254] {strides = array<i32>} : memref<128xi32, #tpu.memory_space<vmem>>, vector<16xi32>,
      %get3A_256 = vector.shape_cast %get3A_255 : vector<16xi32> to vector<16xi32>
      %add3A_257 = arith.addi %mul3A_253, %get3A_256 : vector<16xi32>
      %swap3A_258 = arith.constant 80 : index
      %swap3A_259 = tpu.vector_load %arg9[%swap3A_258] {strides = array<i32>} : memref<128xi32, #tpu.memory_space<vmem>>, vector<16xi32>,
      %swap3A_260 = vector.shape_cast %swap3A_259 : vector<16xi32> to vector<16xi32>
      %swap3A_261 = vector.shape_cast %add3A_257 : vector<16xi32> to vector<16xi32>
      tpu.vector_store %arg9[%swap3A_258], %swap3A_261 {strides = array<i32>} : memref<128xi32, #tpu.memory_space<vmem>>, vector<16xi32>,
      %get3A_262 = arith.constant 96 : index
      %get3A_263 = tpu.vector_load %arg9[%get3A_262] {strides = array<i32>} : memref<128xi32, #tpu.memory_space<vmem>>, vector<16xi32>,
      %get3A_264 = vector.shape_cast %get3A_263 : vector<16xi32> to vector<16xi32>
      %mul3A_265 = arith.constant 10000 : i32
      %mul3A_266 = vector.broadcast %mul3A_265 : i32 to vector<16xi32>
      %mul3A_267 = arith.muli %get3A_264, %mul3A_266 : vector<16xi32>
      %get3A_268 = arith.constant 96 : index
      %get3A_269 = tpu.vector_load %arg12[%get3A_268] {strides = array<i32>} : memref<128xi32, #tpu.memory_space<vmem>>, vector<16xi32>,
      %get3A_270 = vector.shape_cast %get3A_269 : vector<16xi32> to vector<16xi32>
      %add3A_271 = arith.addi %mul3A_267, %get3A_270 : vector<16xi32>
      %swap3A_272 = arith.constant 96 : index
      %swap3A_273 = tpu.vector_load %arg9[%swap3A_272] {strides = array<i32>} : memref<128xi32, #tpu.memory_space<vmem>>, vector<16xi32>,
      %swap3A_274 = vector.shape_cast %swap3A_273 : vector<16xi32> to vector<16xi32>
      %swap3A_275 = vector.shape_cast %add3A_271 : vector<16xi32> to vector<16xi32>
      tpu.vector_store %arg9[%swap3A_272], %swap3A_275 {strides = array<i32>} : memref<128xi32, #tpu.memory_space<vmem>>, vector<16xi32>,
      %get3A_276 = arith.constant 112 : index
      %get3A_277 = tpu.vector_load %arg9[%get3A_276] {strides = array<i32>} : memref<128xi32, #tpu.memory_space<vmem>>, vector<16xi32>,
      %get3A_278 = vector.shape_cast %get3A_277 : vector<16xi32> to vector<16xi32>
      %mul3A_279 = arith.constant 10000 : i32
      %mul3A_280 = vector.broadcast %mul3A_279 : i32 to vector<16xi32>
      %mul3A_281 = arith.muli %get3A_278, %mul3A_280 : vector<16xi32>
      %get3A_282 = arith.constant 112 : index
      %get3A_283 = tpu.vector_load %arg12[%get3A_282] {strides = array<i32>} : memref<128xi32, #tpu.memory_space<vmem>>, vector<16xi32>,
      %get3A_284 = vector.shape_cast %get3A_283 : vector<16xi32> to vector<16xi32>
      %add3A_285 = arith.addi %mul3A_281, %get3A_284 : vector<16xi32>
      %swap3A_286 = arith.constant 112 : index
      %swap3A_287 = tpu.vector_load %arg9[%swap3A_286] {strides = array<i32>} : memref<128xi32, #tpu.memory_space<vmem>>, vector<16xi32>,
      %swap3A_288 = vector.shape_cast %swap3A_287 : vector<16xi32> to vector<16xi32>
      %swap3A_289 = vector.shape_cast %add3A_285 : vector<16xi32> to vector<16xi32>
      tpu.vector_store %arg9[%swap3A_286], %swap3A_289 {strides = array<i32>} : memref<128xi32, #tpu.memory_space<vmem>>, vector<16xi32>,
      %dma_start3A_290 = tpu.memref_slice %arg5[%add3A_173] : memref<331776xi32, #tpu.memory_space<hbm>> -> memref<128xi32, #tpu.memory_space<hbm>>
      %dma_start3A_291 = tpu.memref_slice %arg5[%add3A_173] : memref<331776xi32, #tpu.memory_space<hbm>> -> memref<128xi32, #tpu.memory_space<hbm>>
      tpu.enqueue_dma source(%dma_start3A_291 : memref<128xi32, #tpu.memory_space<hbm>>) target(%arg12 : memref<128xi32, #tpu.memory_space<vmem>>) target_semaphore(%arg19 : memref<!tpu.dma_semaphore, #tpu.memory_space<semaphore_mem>>)
      %dma_start3A_292 = arith.constant 0 : i32
      %dma_start3A_293 = arith.constant 0 : i32
      %dma_start3A_294 = tpu.memref_slice %arg2[%dma_start3A_292, %dma_start3A_293] : memref<160000x128xf32, #tpu.memory_space<hbm>> -> memref<160000x128xf32, #tpu.memory_space<hbm>>
      tpu.enqueue_indirect_dma source(%dma_start3A_294 : memref<160000x128xf32, #tpu.memory_space<hbm>>) target(%arg15 : memref<128x128xf32, #tpu.memory_space<vmem>>) offsets(%arg9 : memref<128xi32, #tpu.memory_space<vmem>>) semaphore(%arg22 : memref<!tpu.dma_semaphore, #tpu.memory_space<semaphore_mem>>)
      %add3A_295 = arith.constant 2 : i32
      %add3A_296 = arith.addi %mul3A_19, %add3A_295 : i32
      %mul3A_297 = arith.constant 128 : i32
      %mul3A_298 = arith.muli %add3A_296, %mul3A_297 : i32
      %add3A_299 = arith.addi %mul3A_2, %mul3A_298 : i32
      %dma_wait3A_300 = tpu.memref_slice %arg3[%add3A_41] : memref<331776xi32, #tpu.memory_space<hbm>> -> memref<128xi32, #tpu.memory_space<hbm>>
      %dma_wait3A_301 = tpu.memref_slice %arg3[%add3A_41] : memref<331776xi32, #tpu.memory_space<hbm>> -> memref<128xi32, #tpu.memory_space<hbm>>
      tpu.wait_dma2 semaphore(%arg20 : memref<!tpu.dma_semaphore, #tpu.memory_space<semaphore_mem>>) src(%dma_wait3A_301 : memref<128xi32, #tpu.memory_space<hbm>>) dst(%arg10 : memref<128xi32, #tpu.memory_space<vmem>>)
      %dma_wait3A_302 = tpu.memref_slice %arg4[%add3A_41] : memref<331776xi32, #tpu.memory_space<hbm>> -> memref<128xi32, #tpu.memory_space<hbm>>
      %dma_wait3A_303 = tpu.memref_slice %arg4[%add3A_41] : memref<331776xi32, #tpu.memory_space<hbm>> -> memref<128xi32, #tpu.memory_space<hbm>>
      tpu.wait_dma2 semaphore(%arg20 : memref<!tpu.dma_semaphore, #tpu.memory_space<semaphore_mem>>) src(%dma_wait3A_303 : memref<128xi32, #tpu.memory_space<hbm>>) dst(%arg13 : memref<128xi32, #tpu.memory_space<vmem>>)
      %get3A_304 = arith.constant 0 : index
      %get3A_305 = tpu.vector_load %arg10[%get3A_304] {strides = array<i32>} : memref<128xi32, #tpu.memory_space<vmem>>, vector<16xi32>,
      %get3A_306 = vector.shape_cast %get3A_305 : vector<16xi32> to vector<16xi32>
      %mul3A_307 = arith.constant 10000 : i32
      %mul3A_308 = vector.broadcast %mul3A_307 : i32 to vector<16xi32>
      %mul3A_309 = arith.muli %get3A_306, %mul3A_308 : vector<16xi32>
      %get3A_310 = arith.constant 0 : index
      %get3A_311 = tpu.vector_load %arg13[%get3A_310] {strides = array<i32>} : memref<128xi32, #tpu.memory_space<vmem>>, vector<16xi32>,
      %get3A_312 = vector.shape_cast %get3A_311 : vector<16xi32> to vector<16xi32>
      %add3A_313 = arith.addi %mul3A_309, %get3A_312 : vector<16xi32>
      %swap3A_314 = arith.constant 0 : index
      %swap3A_315 = tpu.vector_load %arg10[%swap3A_314] {strides = array<i32>} : memref<128xi32, #tpu.memory_space<vmem>>, vector<16xi32>,
      %swap3A_316 = vector.shape_cast %swap3A_315 : vector<16xi32> to vector<16xi32>
      %swap3A_317 = vector.shape_cast %add3A_313 : vector<16xi32> to vector<16xi32>
      tpu.vector_store %arg10[%swap3A_314], %swap3A_317 {strides = array<i32>} : memref<128xi32, #tpu.memory_space<vmem>>, vector<16xi32>,
      %get3A_318 = arith.constant 16 : index
      %get3A_319 = tpu.vector_load %arg10[%get3A_318] {strides = array<i32>} : memref<128xi32, #tpu.memory_space<vmem>>, vector<16xi32>,
      %get3A_320 = vector.shape_cast %get3A_319 : vector<16xi32> to vector<16xi32>
      %mul3A_321 = arith.constant 10000 : i32
      %mul3A_322 = vector.broadcast %mul3A_321 : i32 to vector<16xi32>
      %mul3A_323 = arith.muli %get3A_320, %mul3A_322 : vector<16xi32>
      %get3A_324 = arith.constant 16 : index
      %get3A_325 = tpu.vector_load %arg13[%get3A_324] {strides = array<i32>} : memref<128xi32, #tpu.memory_space<vmem>>, vector<16xi32>,
      %get3A_326 = vector.shape_cast %get3A_325 : vector<16xi32> to vector<16xi32>
      %add3A_327 = arith.addi %mul3A_323, %get3A_326 : vector<16xi32>
      %swap3A_328 = arith.constant 16 : index
      %swap3A_329 = tpu.vector_load %arg10[%swap3A_328] {strides = array<i32>} : memref<128xi32, #tpu.memory_space<vmem>>, vector<16xi32>,
      %swap3A_330 = vector.shape_cast %swap3A_329 : vector<16xi32> to vector<16xi32>
      %swap3A_331 = vector.shape_cast %add3A_327 : vector<16xi32> to vector<16xi32>
      tpu.vector_store %arg10[%swap3A_328], %swap3A_331 {strides = array<i32>} : memref<128xi32, #tpu.memory_space<vmem>>, vector<16xi32>,
      %get3A_332 = arith.constant 32 : index
      %get3A_333 = tpu.vector_load %arg10[%get3A_332] {strides = array<i32>} : memref<128xi32, #tpu.memory_space<vmem>>, vector<16xi32>,
      %get3A_334 = vector.shape_cast %get3A_333 : vector<16xi32> to vector<16xi32>
      %mul3A_335 = arith.constant 10000 : i32
      %mul3A_336 = vector.broadcast %mul3A_335 : i32 to vector<16xi32>
      %mul3A_337 = arith.muli %get3A_334, %mul3A_336 : vector<16xi32>
      %get3A_338 = arith.constant 32 : index
      %get3A_339 = tpu.vector_load %arg13[%get3A_338] {strides = array<i32>} : memref<128xi32, #tpu.memory_space<vmem>>, vector<16xi32>,
      %get3A_340 = vector.shape_cast %get3A_339 : vector<16xi32> to vector<16xi32>
      %add3A_341 = arith.addi %mul3A_337, %get3A_340 : vector<16xi32>
      %swap3A_342 = arith.constant 32 : index
      %swap3A_343 = tpu.vector_load %arg10[%swap3A_342] {strides = array<i32>} : memref<128xi32, #tpu.memory_space<vmem>>, vector<16xi32>,
      %swap3A_344 = vector.shape_cast %swap3A_343 : vector<16xi32> to vector<16xi32>
      %swap3A_345 = vector.shape_cast %add3A_341 : vector<16xi32> to vector<16xi32>
      tpu.vector_store %arg10[%swap3A_342], %swap3A_345 {strides = array<i32>} : memref<128xi32, #tpu.memory_space<vmem>>, vector<16xi32>,
      %get3A_346 = arith.constant 48 : index
      %get3A_347 = tpu.vector_load %arg10[%get3A_346] {strides = array<i32>} : memref<128xi32, #tpu.memory_space<vmem>>, vector<16xi32>,
      %get3A_348 = vector.shape_cast %get3A_347 : vector<16xi32> to vector<16xi32>
      %mul3A_349 = arith.constant 10000 : i32
      %mul3A_350 = vector.broadcast %mul3A_349 : i32 to vector<16xi32>
      %mul3A_351 = arith.muli %get3A_348, %mul3A_350 : vector<16xi32>
      %get3A_352 = arith.constant 48 : index
      %get3A_353 = tpu.vector_load %arg13[%get3A_352] {strides = array<i32>} : memref<128xi32, #tpu.memory_space<vmem>>, vector<16xi32>,
      %get3A_354 = vector.shape_cast %get3A_353 : vector<16xi32> to vector<16xi32>
      %add3A_355 = arith.addi %mul3A_351, %get3A_354 : vector<16xi32>
      %swap3A_356 = arith.constant 48 : index
      %swap3A_357 = tpu.vector_load %arg10[%swap3A_356] {strides = array<i32>} : memref<128xi32, #tpu.memory_space<vmem>>, vector<16xi32>,
      %swap3A_358 = vector.shape_cast %swap3A_357 : vector<16xi32> to vector<16xi32>
      %swap3A_359 = vector.shape_cast %add3A_355 : vector<16xi32> to vector<16xi32>
      tpu.vector_store %arg10[%swap3A_356], %swap3A_359 {strides = array<i32>} : memref<128xi32, #tpu.memory_space<vmem>>, vector<16xi32>,
      %get3A_360 = arith.constant 64 : index
      %get3A_361 = tpu.vector_load %arg10[%get3A_360] {strides = array<i32>} : memref<128xi32, #tpu.memory_space<vmem>>, vector<16xi32>,
      %get3A_362 = vector.shape_cast %get3A_361 : vector<16xi32> to vector<16xi32>
      %mul3A_363 = arith.constant 10000 : i32
      %mul3A_364 = vector.broadcast %mul3A_363 : i32 to vector<16xi32>
      %mul3A_365 = arith.muli %get3A_362, %mul3A_364 : vector<16xi32>
      %get3A_366 = arith.constant 64 : index
      %get3A_367 = tpu.vector_load %arg13[%get3A_366] {strides = array<i32>} : memref<128xi32, #tpu.memory_space<vmem>>, vector<16xi32>,
      %get3A_368 = vector.shape_cast %get3A_367 : vector<16xi32> to vector<16xi32>
      %add3A_369 = arith.addi %mul3A_365, %get3A_368 : vector<16xi32>
      %swap3A_370 = arith.constant 64 : index
      %swap3A_371 = tpu.vector_load %arg10[%swap3A_370] {strides = array<i32>} : memref<128xi32, #tpu.memory_space<vmem>>, vector<16xi32>,
      %swap3A_372 = vector.shape_cast %swap3A_371 : vector<16xi32> to vector<16xi32>
      %swap3A_373 = vector.shape_cast %add3A_369 : vector<16xi32> to vector<16xi32>
      tpu.vector_store %arg10[%swap3A_370], %swap3A_373 {strides = array<i32>} : memref<128xi32, #tpu.memory_space<vmem>>, vector<16xi32>,
      %get3A_374 = arith.constant 80 : index
      %get3A_375 = tpu.vector_load %arg10[%get3A_374] {strides = array<i32>} : memref<128xi32, #tpu.memory_space<vmem>>, vector<16xi32>,
      %get3A_376 = vector.shape_cast %get3A_375 : vector<16xi32> to vector<16xi32>
      %mul3A_377 = arith.constant 10000 : i32
      %mul3A_378 = vector.broadcast %mul3A_377 : i32 to vector<16xi32>
      %mul3A_379 = arith.muli %get3A_376, %mul3A_378 : vector<16xi32>
      %get3A_380 = arith.constant 80 : index
      %get3A_381 = tpu.vector_load %arg13[%get3A_380] {strides = array<i32>} : memref<128xi32, #tpu.memory_space<vmem>>, vector<16xi32>,
      %get3A_382 = vector.shape_cast %get3A_381 : vector<16xi32> to vector<16xi32>
      %add3A_383 = arith.addi %mul3A_379, %get3A_382 : vector<16xi32>
      %swap3A_384 = arith.constant 80 : index
      %swap3A_385 = tpu.vector_load %arg10[%swap3A_384] {strides = array<i32>} : memref<128xi32, #tpu.memory_space<vmem>>, vector<16xi32>,
      %swap3A_386 = vector.shape_cast %swap3A_385 : vector<16xi32> to vector<16xi32>
      %swap3A_387 = vector.shape_cast %add3A_383 : vector<16xi32> to vector<16xi32>
      tpu.vector_store %arg10[%swap3A_384], %swap3A_387 {strides = array<i32>} : memref<128xi32, #tpu.memory_space<vmem>>, vector<16xi32>,
      %get3A_388 = arith.constant 96 : index
      %get3A_389 = tpu.vector_load %arg10[%get3A_388] {strides = array<i32>} : memref<128xi32, #tpu.memory_space<vmem>>, vector<16xi32>,
      %get3A_390 = vector.shape_cast %get3A_389 : vector<16xi32> to vector<16xi32>
      %mul3A_391 = arith.constant 10000 : i32
      %mul3A_392 = vector.broadcast %mul3A_391 : i32 to vector<16xi32>
      %mul3A_393 = arith.muli %get3A_390, %mul3A_392 : vector<16xi32>
      %get3A_394 = arith.constant 96 : index
      %get3A_395 = tpu.vector_load %arg13[%get3A_394] {strides = array<i32>} : memref<128xi32, #tpu.memory_space<vmem>>, vector<16xi32>,
      %get3A_396 = vector.shape_cast %get3A_395 : vector<16xi32> to vector<16xi32>
      %add3A_397 = arith.addi %mul3A_393, %get3A_396 : vector<16xi32>
      %swap3A_398 = arith.constant 96 : index
      %swap3A_399 = tpu.vector_load %arg10[%swap3A_398] {strides = array<i32>} : memref<128xi32, #tpu.memory_space<vmem>>, vector<16xi32>,
      %swap3A_400 = vector.shape_cast %swap3A_399 : vector<16xi32> to vector<16xi32>
      %swap3A_401 = vector.shape_cast %add3A_397 : vector<16xi32> to vector<16xi32>
      tpu.vector_store %arg10[%swap3A_398], %swap3A_401 {strides = array<i32>} : memref<128xi32, #tpu.memory_space<vmem>>, vector<16xi32>,
      %get3A_402 = arith.constant 112 : index
      %get3A_403 = tpu.vector_load %arg10[%get3A_402] {strides = array<i32>} : memref<128xi32, #tpu.memory_space<vmem>>, vector<16xi32>,
      %get3A_404 = vector.shape_cast %get3A_403 : vector<16xi32> to vector<16xi32>
      %mul3A_405 = arith.constant 10000 : i32
      %mul3A_406 = vector.broadcast %mul3A_405 : i32 to vector<16xi32>
      %mul3A_407 = arith.muli %get3A_404, %mul3A_406 : vector<16xi32>
      %get3A_408 = arith.constant 112 : index
      %get3A_409 = tpu.vector_load %arg13[%get3A_408] {strides = array<i32>} : memref<128xi32, #tpu.memory_space<vmem>>, vector<16xi32>,
      %get3A_410 = vector.shape_cast %get3A_409 : vector<16xi32> to vector<16xi32>
      %add3A_411 = arith.addi %mul3A_407, %get3A_410 : vector<16xi32>
      %swap3A_412 = arith.constant 112 : index
      %swap3A_413 = tpu.vector_load %arg10[%swap3A_412] {strides = array<i32>} : memref<128xi32, #tpu.memory_space<vmem>>, vector<16xi32>,
      %swap3A_414 = vector.shape_cast %swap3A_413 : vector<16xi32> to vector<16xi32>
      %swap3A_415 = vector.shape_cast %add3A_411 : vector<16xi32> to vector<16xi32>
      tpu.vector_store %arg10[%swap3A_412], %swap3A_415 {strides = array<i32>} : memref<128xi32, #tpu.memory_space<vmem>>, vector<16xi32>,
      %dma_start3A_416 = tpu.memref_slice %arg5[%add3A_299] : memref<331776xi32, #tpu.memory_space<hbm>> -> memref<128xi32, #tpu.memory_space<hbm>>
      %dma_start3A_417 = tpu.memref_slice %arg5[%add3A_299] : memref<331776xi32, #tpu.memory_space<hbm>> -> memref<128xi32, #tpu.memory_space<hbm>>
      tpu.enqueue_dma source(%dma_start3A_417 : memref<128xi32, #tpu.memory_space<hbm>>) target(%arg13 : memref<128xi32, #tpu.memory_space<vmem>>) target_semaphore(%arg20 : memref<!tpu.dma_semaphore, #tpu.memory_space<semaphore_mem>>)
      %dma_start3A_418 = arith.constant 0 : i32
      %dma_start3A_419 = arith.constant 0 : i32
      %dma_start3A_420 = tpu.memref_slice %arg2[%dma_start3A_418, %dma_start3A_419] : memref<160000x128xf32, #tpu.memory_space<hbm>> -> memref<160000x128xf32, #tpu.memory_space<hbm>>
      tpu.enqueue_indirect_dma source(%dma_start3A_420 : memref<160000x128xf32, #tpu.memory_space<hbm>>) target(%arg16 : memref<128x128xf32, #tpu.memory_space<vmem>>) offsets(%arg10 : memref<128xi32, #tpu.memory_space<vmem>>) semaphore(%arg23 : memref<!tpu.dma_semaphore, #tpu.memory_space<semaphore_mem>>)
      %dma_wait3A_421 = arith.constant 0 : i32
      %dma_wait3A_422 = arith.constant 0 : i32
      %dma_wait3A_423 = tpu.memref_slice %arg2[%dma_wait3A_421, %dma_wait3A_422] : memref<160000x128xf32, #tpu.memory_space<hbm>> -> memref<160000x128xf32, #tpu.memory_space<hbm>>
      tpu.wait_indirect_dma semaphore(%arg21 : memref<!tpu.dma_semaphore, #tpu.memory_space<semaphore_mem>>) src(%dma_wait3A_423 : memref<160000x128xf32, #tpu.memory_space<hbm>>) dst(%arg14 : memref<128x128xf32, #tpu.memory_space<vmem>>)
      %dma_wait3A_424 = tpu.memref_slice %arg5[%add3A_50] : memref<331776xi32, #tpu.memory_space<hbm>> -> memref<128xi32, #tpu.memory_space<hbm>>
      %dma_wait3A_425 = tpu.memref_slice %arg5[%add3A_50] : memref<331776xi32, #tpu.memory_space<hbm>> -> memref<128xi32, #tpu.memory_space<hbm>>
      tpu.wait_dma2 semaphore(%arg18 : memref<!tpu.dma_semaphore, #tpu.memory_space<semaphore_mem>>) src(%dma_wait3A_425 : memref<128xi32, #tpu.memory_space<hbm>>) dst(%arg11 : memref<128xi32, #tpu.memory_space<vmem>>)
      %dma_start3A_426 = arith.constant 0 : i32
      %dma_start3A_427 = arith.constant 0 : i32
      %dma_start3A_428 = tpu.memref_slice %arg17[%dma_start3A_426, %dma_start3A_427] : memref<10112x128xf32, #tpu.memory_space<vmem_shared>> -> memref<10112x128xf32, #tpu.memory_space<vmem_shared>>
      tpu.enqueue_indirect_dma source(%arg14 : memref<128x128xf32, #tpu.memory_space<vmem>>) target(%dma_start3A_428 : memref<10112x128xf32, #tpu.memory_space<vmem_shared>>) offsets(%arg11 : memref<128xi32, #tpu.memory_space<vmem>>) semaphore(%arg24 : memref<!tpu.dma_semaphore, #tpu.memory_space<semaphore_mem>>) {add = true}
      %dma_wait3A_429 = arith.constant 0 : i32
      %dma_wait3A_430 = arith.constant 0 : i32
      %dma_wait3A_431 = tpu.memref_slice %arg2[%dma_wait3A_429, %dma_wait3A_430] : memref<160000x128xf32, #tpu.memory_space<hbm>> -> memref<160000x128xf32, #tpu.memory_space<hbm>>
      tpu.wait_indirect_dma semaphore(%arg22 : memref<!tpu.dma_semaphore, #tpu.memory_space<semaphore_mem>>) src(%dma_wait3A_431 : memref<160000x128xf32, #tpu.memory_space<hbm>>) dst(%arg15 : memref<128x128xf32, #tpu.memory_space<vmem>>)
      %dma_wait3A_432 = tpu.memref_slice %arg5[%add3A_173] : memref<331776xi32, #tpu.memory_space<hbm>> -> memref<128xi32, #tpu.memory_space<hbm>>
      %dma_wait3A_433 = tpu.memref_slice %arg5[%add3A_173] : memref<331776xi32, #tpu.memory_space<hbm>> -> memref<128xi32, #tpu.memory_space<hbm>>
      tpu.wait_dma2 semaphore(%arg19 : memref<!tpu.dma_semaphore, #tpu.memory_space<semaphore_mem>>) src(%dma_wait3A_433 : memref<128xi32, #tpu.memory_space<hbm>>) dst(%arg12 : memref<128xi32, #tpu.memory_space<vmem>>)
      %dma_start3A_434 = arith.constant 0 : i32
      %dma_start3A_435 = arith.constant 0 : i32
      %dma_start3A_436 = tpu.memref_slice %arg17[%dma_start3A_434, %dma_start3A_435] : memref<10112x128xf32, #tpu.memory_space<vmem_shared>> -> memref<10112x128xf32, #tpu.memory_space<vmem_shared>>
      tpu.enqueue_indirect_dma source(%arg15 : memref<128x128xf32, #tpu.memory_space<vmem>>) target(%dma_start3A_436 : memref<10112x128xf32, #tpu.memory_space<vmem_shared>>) offsets(%arg12 : memref<128xi32, #tpu.memory_space<vmem>>) semaphore(%arg25 : memref<!tpu.dma_semaphore, #tpu.memory_space<semaphore_mem>>) {add = true}
      %dma_wait3A_437 = arith.constant 0 : i32
      %dma_wait3A_438 = arith.constant 0 : i32
      %dma_wait3A_439 = tpu.memref_slice %arg2[%dma_wait3A_437, %dma_wait3A_438] : memref<160000x128xf32, #tpu.memory_space<hbm>> -> memref<160000x128xf32, #tpu.memory_space<hbm>>
      tpu.wait_indirect_dma semaphore(%arg23 : memref<!tpu.dma_semaphore, #tpu.memory_space<semaphore_mem>>) src(%dma_wait3A_439 : memref<160000x128xf32, #tpu.memory_space<hbm>>) dst(%arg16 : memref<128x128xf32, #tpu.memory_space<vmem>>)
      %dma_wait3A_440 = tpu.memref_slice %arg5[%add3A_299] : memref<331776xi32, #tpu.memory_space<hbm>> -> memref<128xi32, #tpu.memory_space<hbm>>
      %dma_wait3A_441 = tpu.memref_slice %arg5[%add3A_299] : memref<331776xi32, #tpu.memory_space<hbm>> -> memref<128xi32, #tpu.memory_space<hbm>>
      tpu.wait_dma2 semaphore(%arg20 : memref<!tpu.dma_semaphore, #tpu.memory_space<semaphore_mem>>) src(%dma_wait3A_441 : memref<128xi32, #tpu.memory_space<hbm>>) dst(%arg13 : memref<128xi32, #tpu.memory_space<vmem>>)
      %dma_start3A_442 = arith.constant 0 : i32
      %dma_start3A_443 = arith.constant 0 : i32
      %dma_start3A_444 = tpu.memref_slice %arg17[%dma_start3A_442, %dma_start3A_443] : memref<10112x128xf32, #tpu.memory_space<vmem_shared>> -> memref<10112x128xf32, #tpu.memory_space<vmem_shared>>
      tpu.enqueue_indirect_dma source(%arg16 : memref<128x128xf32, #tpu.memory_space<vmem>>) target(%dma_start3A_444 : memref<10112x128xf32, #tpu.memory_space<vmem_shared>>) offsets(%arg13 : memref<128xi32, #tpu.memory_space<vmem>>) semaphore(%arg26 : memref<!tpu.dma_semaphore, #tpu.memory_space<semaphore_mem>>) {add = true}
      %dma_wait3A_445 = arith.constant 0 : i32
      %dma_wait3A_446 = arith.constant 0 : i32
      %dma_wait3A_447 = tpu.memref_slice %arg17[%dma_wait3A_445, %dma_wait3A_446] : memref<10112x128xf32, #tpu.memory_space<vmem_shared>> -> memref<10112x128xf32, #tpu.memory_space<vmem_shared>>
      tpu.wait_indirect_dma semaphore(%arg24 : memref<!tpu.dma_semaphore, #tpu.memory_space<semaphore_mem>>) src(%arg14 : memref<128x128xf32, #tpu.memory_space<vmem>>) dst(%dma_wait3A_447 : memref<10112x128xf32, #tpu.memory_space<vmem_shared>>)
      %dma_wait3A_448 = arith.constant 0 : i32
      %dma_wait3A_449 = arith.constant 0 : i32
      %dma_wait3A_450 = tpu.memref_slice %arg17[%dma_wait3A_448, %dma_wait3A_449] : memref<10112x128xf32, #tpu.memory_space<vmem_shared>> -> memref<10112x128xf32, #tpu.memory_space<vmem_shared>>
      tpu.wait_indirect_dma semaphore(%arg25 : memref<!tpu.dma_semaphore, #tpu.memory_space<semaphore_mem>>) src(%arg15 : memref<128x128xf32, #tpu.memory_space<vmem>>) dst(%dma_wait3A_450 : memref<10112x128xf32, #tpu.memory_space<vmem_shared>>)
      %dma_wait3A_451 = arith.constant 0 : i32
      %dma_wait3A_452 = arith.constant 0 : i32
      %dma_wait3A_453 = tpu.memref_slice %arg17[%dma_wait3A_451, %dma_wait3A_452] : memref<10112x128xf32, #tpu.memory_space<vmem_shared>> -> memref<10112x128xf32, #tpu.memory_space<vmem_shared>>
      tpu.wait_indirect_dma semaphore(%arg26 : memref<!tpu.dma_semaphore, #tpu.memory_space<semaphore_mem>>) src(%arg16 : memref<128x128xf32, #tpu.memory_space<vmem>>) dst(%dma_wait3A_453 : memref<10112x128xf32, #tpu.memory_space<vmem_shared>>)
      %scan3A_454 = arith.constant 0 : i32
      scf.yield %scan3A_454 : i32
    }
    %scan3A_10 = arith.constant 27 : i32
    %barrier3A_11 = arith.constant 0 : index
    tpu.barrier barrier_id(%barrier3A_11)
    %mul3A_12 = arith.constant 632 : i32
    %mul3A_13 = arith.muli %arg1, %mul3A_12 : i32
    %mul3A_14 = arith.constant 632 : i32
    %mul3A_15 = arith.muli %arg1, %mul3A_14 : i32
    "tpu.region"() ({
      %run_scoped3A = tpu.sem_alloc : memref<!tpu.dma_semaphore, #tpu.memory_space<semaphore_mem>>
      %dma_start3A = arith.constant 0 : i32
      %dma_start3A_16 = tpu.memref_slice %arg7[%arg0, %mul3A_15, %dma_start3A] : memref<2x10112x128xf32, #tpu.memory_space<hbm>> -> memref<1x632x128xf32, #tpu.memory_space<hbm>>
      %dma_start3A_17 = tpu.memref_squeeze %dma_start3A_16 : memref<1x632x128xf32, #tpu.memory_space<hbm>> -> memref<632x128xf32, #tpu.memory_space<hbm>>
      %dma_start3A_18 = arith.constant 0 : i32
      %dma_start3A_19 = tpu.memref_slice %arg17[%mul3A_13, %dma_start3A_18] : memref<10112x128xf32, #tpu.memory_space<vmem_shared>> -> memref<632x128xf32, #tpu.memory_space<vmem_shared>>
      tpu.enqueue_dma source(%dma_start3A_19 : memref<632x128xf32, #tpu.memory_space<vmem_shared>>) target(%dma_start3A_17 : memref<632x128xf32, #tpu.memory_space<hbm>>) target_semaphore(%run_scoped3A : memref<!tpu.dma_semaphore, #tpu.memory_space<semaphore_mem>>)
      %dma_wait3A = arith.constant 0 : i32
      %dma_wait3A_20 = tpu.memref_slice %arg7[%arg0, %mul3A_15, %dma_wait3A] : memref<2x10112x128xf32, #tpu.memory_space<hbm>> -> memref<1x632x128xf32, #tpu.memory_space<hbm>>
      %dma_wait3A_21 = tpu.memref_squeeze %dma_wait3A_20 : memref<1x632x128xf32, #tpu.memory_space<hbm>> -> memref<632x128xf32, #tpu.memory_space<hbm>>
      %dma_wait3A_22 = arith.constant 0 : i32
      %dma_wait3A_23 = tpu.memref_slice %arg17[%mul3A_13, %dma_wait3A_22] : memref<10112x128xf32, #tpu.memory_space<vmem_shared>> -> memref<632x128xf32, #tpu.memory_space<vmem_shared>>
      tpu.wait_dma2 semaphore(%run_scoped3A : memref<!tpu.dma_semaphore, #tpu.memory_space<semaphore_mem>>) src(%dma_wait3A_23 : memref<632x128xf32, #tpu.memory_space<vmem_shared>>) dst(%dma_wait3A_21 : memref<632x128xf32, #tpu.memory_space<hbm>>)
      tpu.yield
    }) : () -> ()
    return
  }
}

module attributes {stable_mosaic.version = 14 : i64} {
  func.func @_relmm_body(%arg0: i32, %arg1: i32, %arg2: memref<10000x128xf32, #tpu.memory_space<vmem>>, %arg3: memref<1x128x128xf32, #tpu.memory_space<vmem>>, %arg4: memref<1x10000x128xf32, #tpu.memory_space<vmem>>) attributes {dimension_semantics = [#tpu.dimension_semantics<arbitrary>, #tpu.dimension_semantics<arbitrary>], iteration_bounds = array<i64: 1, 16>, scalar_prefetch = 0 : i64, scratch_operands = 0 : i64, tpu.core_type = #tpu.core_type<tc>, window_params = [{transform_indices = @transform_0, window_bounds = array<i64: 10000, 128>}, {transform_indices = @transform_1, window_bounds = array<i64: 1, 128, 128>}, {transform_indices = @transform_2, window_bounds = array<i64: 1, 10000, 128>}]} {
    %get3A = arith.constant 0 : index
    %get3A_0 = arith.constant 0 : index
    %get3A_1 = vector.load %arg2[%get3A, %get3A_0] : memref<10000x128xf32, #tpu.memory_space<vmem>>, vector<10000x128xf32>
    %get3A_2 = arith.constant 0 : index
    %get3A_3 = arith.constant 0 : index
    %get3A_4 = arith.constant 0 : index
    %get3A_5 = vector.load %arg3[%get3A_2, %get3A_3, %get3A_4] : memref<1x128x128xf32, #tpu.memory_space<vmem>>, vector<1x128x128xf32>
    %get3A_6 = vector.shape_cast %get3A_5 : vector<1x128x128xf32> to vector<128x128xf32>
    %dot_general3A = arith.constant dense<0.000000e+00> : vector<10000x128xf32>
    %dot_general3A_7 = tpu.matmul %get3A_1, %get3A_6, %dot_general3A {dimension_numbers = #tpu.dot_dimension_numbers<[1], [0], [0], [1], [0, 0, 1, 1], [], []>, transpose_lhs_hint = false} : vector<10000x128xf32>, vector<128x128xf32>, vector<10000x128xf32> -> vector<10000x128xf32>
    %swap3A = arith.constant 0 : index
    %swap3A_8 = arith.constant 0 : index
    %swap3A_9 = arith.constant 0 : index
    %swap3A_10 = vector.load %arg4[%swap3A, %swap3A_8, %swap3A_9] : memref<1x10000x128xf32, #tpu.memory_space<vmem>>, vector<1x10000x128xf32>
    %swap3A_11 = vector.shape_cast %swap3A_10 : vector<1x10000x128xf32> to vector<10000x128xf32>
    %swap3A_12 = vector.shape_cast %dot_general3A_7 : vector<10000x128xf32> to vector<1x10000x128xf32>
    tpu.vector_store %arg4[%swap3A, %swap3A_8, %swap3A_9], %swap3A_12 {strides = array<i32>} : memref<1x10000x128xf32, #tpu.memory_space<vmem>>, vector<1x10000x128xf32>,
    return
  }
  func.func @transform_0(%arg0: i32, %arg1: i32) -> (i32, i32) {
    %c0_i32 = arith.constant 0 : i32
    %c0_i32_0 = arith.constant 0 : i32
    return %arg0, %c0_i32 : i32, i32
  }
  func.func @transform_1(%arg0: i32, %arg1: i32) -> (i32, i32, i32) {
    %c0_i32 = arith.constant 0 : i32
    %c0_i32_0 = arith.constant 0 : i32
    %c0_i32_1 = arith.constant 0 : i32
    return %arg1, %c0_i32, %c0_i32_0 : i32, i32, i32
  }
  func.func @transform_2(%arg0: i32, %arg1: i32) -> (i32, i32, i32) {
    %c0_i32 = arith.constant 0 : i32
    %c0_i32_0 = arith.constant 0 : i32
    return %arg1, %arg0, %c0_i32 : i32, i32, i32
  }
}

module attributes {stable_mosaic.version = 14 : i64} {
  func.func @_add_body(%arg0: i32, %arg1: memref<10000x128xf32, #tpu.memory_space<vmem>>, %arg2: memref<10000x128xf32, #tpu.memory_space<vmem>>, %arg3: memref<10000x128xf32, #tpu.memory_space<vmem>>) attributes {dimension_semantics = [#tpu.dimension_semantics<arbitrary>], iteration_bounds = array<i64: 1>, scalar_prefetch = 0 : i64, scratch_operands = 0 : i64, tpu.core_type = #tpu.core_type<tc>, window_params = [{transform_indices = @transform_0, window_bounds = array<i64: 10000, 128>}, {transform_indices = @transform_1, window_bounds = array<i64: 10000, 128>}, {transform_indices = @transform_2, window_bounds = array<i64: 10000, 128>}]} {
    %get3A = arith.constant 0 : index
    %get3A_0 = arith.constant 0 : index
    %get3A_1 = vector.load %arg1[%get3A, %get3A_0] : memref<10000x128xf32, #tpu.memory_space<vmem>>, vector<10000x128xf32>
    %get3A_2 = arith.constant 0 : index
    %get3A_3 = arith.constant 0 : index
    %get3A_4 = vector.load %arg2[%get3A_2, %get3A_3] : memref<10000x128xf32, #tpu.memory_space<vmem>>, vector<10000x128xf32>
    %add3A = arith.addf %get3A_1, %get3A_4 : vector<10000x128xf32>
    %swap3A = arith.constant 0 : index
    %swap3A_5 = arith.constant 0 : index
    %swap3A_6 = vector.load %arg3[%swap3A, %swap3A_5] : memref<10000x128xf32, #tpu.memory_space<vmem>>, vector<10000x128xf32>
    tpu.vector_store %arg3[%swap3A, %swap3A_5], %add3A {strides = array<i32>} : memref<10000x128xf32, #tpu.memory_space<vmem>>, vector<10000x128xf32>,
    return
  }
  func.func @transform_0(%arg0: i32) -> (i32, i32) {
    %c0_i32 = arith.constant 0 : i32
    %c0_i32_0 = arith.constant 0 : i32
    return %arg0, %c0_i32 : i32, i32
  }
  func.func @transform_1(%arg0: i32) -> (i32, i32) {
    %c0_i32 = arith.constant 0 : i32
    %c0_i32_0 = arith.constant 0 : i32
    return %arg0, %c0_i32 : i32, i32
  }
  func.func @transform_2(%arg0: i32) -> (i32, i32) {
    %c0_i32 = arith.constant 0 : i32
    %c0_i32_0 = arith.constant 0 : i32
    return %arg0, %c0_i32 : i32, i32
  }
}

</mosaic_0001>

<sc_bundles>
// kernel: kernel.5.cloned.1.call-start
scs
__scs_entry_jumppad:
0x0: {  	(pc) =	sbr.rel $0x88, $3  }
0x1: {  	(tag) =	ssettag $0x0;
	lr =	simm.s32 $0x1  }
0x2: {  	[smem:$0x3F9D] =	sst lr;
	_ =	strace $0xD0000000  }
0x3: {  	_ = 	snop  }
0x4: {  	_ = 	snop  }
0x5: {  	_ = 	snop  }
0x6: {  	_ = 	snop  }
0x7: {  	_ = 	snop  }
__scs_overlays_trampoline_lowered:
0x8: {  	[smem:$0x3FAC] =	sst s0  }
0x9: {  	[smem:$0x3FAD] =	sst s1  }
0xa: {  	[smem:$0x3FAE] =	sst s2  }
0xb: {  	[smem:$0x3FAF] =	sst s3  }
0xc: {  	[smem:$0x3FB0] =	sst s4  }
0xd: {  	[smem:$0x3FB1] =	sst s5  }
0xe: {  	[smem:$0x3FB2] =	sst s6  }
0xf: {  	[smem:$0x3FB3] =	sst s7  }
0x10: {  	[smem:$0x3FB4] =	sst s8  }
0x11: {  	[smem:$0x3FB5] =	sst s9;
	s0 =	simm.s32 @!p0 $0x0  }
0x12: {  	s1 =	sld [smem:$0x3F9B];
	s0 =	simm.s32 @p0 $0x1  }
0x13: {  	[smem:$0x3FB6] =	sst s0;
	s0 =	simm.s32 @!p1 $0x0  }
0x14: {  	s2 =	sld [smem:$0x3F9A];
	s0 =	simm.s32 @p1 $0x1  }
0x15: {  	[smem:$0x3FB7] =	sst s0;
	s0 =	simm.s32 @!p2 $0x0  }
0x16: {  	s3 =	sld [smem:$0x3FDB];
	s0 =	simm.s32 @p2 $0x1  }
0x17: {  	s4 =	simm.s32 $0x1BF5;
	[smem:$0x3FB9] =	sst s0  }
0x18: {  	s0 =	sld [smem:$0x3F9C];
	_ =	swait.ge [sflag:s4], $0x0  }
0x19: {  	s7 =	sld [smem:$0x3F9D]  }
0x1a: {  	s8 =	sadd.s32 $0xFFFFE003, lr  }
0x1b: {  	s9 =	sadd.s32 $0xFFFFFEF7, lr;
	s5 =	simm.s32 $0xFFFFFFFF;
	p2 =	slt.u32 s8, $0xFFFFF086  }
0x1c: {  	p1 =	slt.u32 s9, $0xF7A;
	s5 =	simm.s32 @!p2 $0x0  }
0x1d: {  	s5 =	simm.s32 @p1 $0x1;
	p0 =	seq.s32 s7, s2  }
0x1e: {  	s7 =	smul.u32 @!p0 $0xF7A, s2;
	p2 =	seq.s32 @!p0 s5, $0x0  }
0x1f: {  	s9 =	smul.u32 $0xF7A, s1;
	s8 =	simm.s32 @!p0 $0x1BF5;
	p2 =	por !p2, p0  }
0x20: {  	[sflag:s8] =	ssyncset.s32 @!p0 $0xFFFFF086;
	s6 =	sadd.s32 @!p0 s3, s7;
	s7 =	simm.s32 @!p0 $0x108  }
0x21: {  	s3 =	sadd.s32 s3, s9;
	s6 =	sadd.s32 @!p0 $0x88, s6;
	s7 =	simm.s32 @p2 $0x1082  }
0x22: {  	[simem:s7], [sflag:s8] =	dma.local @!p0 [hbm:s6], $0xF7A  }
0x23: {  	s9 =	sor.u32 $0xD0000000, s2;
	s6 =	simm.s32 $0x108;
	_ =	swait.ge @!p0 [sflag:s8], $0x0  }
0x24: {  	s3 =	sadd.s32 $0x88, s3;
	s6 =	simm.s32 @!p1 $0x1082;
	[sflag:s4] =	ssyncset.s32 $0xFFFFF086  }
0x25: {  	[simem:s6], [sflag:s4] =	dma.local [hbm:s3], $0xF7A  }
0x26: {  	[smem:$0x3F9D] =	sst s1;
	(tag) =	ssettag s2;
	_ =	strace s9  }
0x27: {  	s1 =	sld [smem:$0x3FAD]  }
0x28: {  	s2 =	sld [smem:$0x3FAE]  }
0x29: {  	s4 =	sld [smem:$0x3FB0]  }
0x2a: {  	p0 =	seq.s32 s5, $0x0;
	s5 =	sld [smem:$0x3FB1]  }
0x2b: {  	s6 =	sld [smem:$0x3FB2]  }
0x2c: {  	s7 =	sld [smem:$0x3FB3]  }
0x2d: {  	s3 =	simm.s32 $0x108;
	s8 =	sld [smem:$0x3FB4]  }
0x2e: {  	s3 =	simm.s32 @!p0 $0x1082;
	s9 =	sld [smem:$0x3FB5]  }
0x2f: {  	lr =	sadd.s32 s0, s3;
	s0 =	sld [smem:$0x3FAC]  }
0x30: {  	s3 =	sld [smem:$0x3FAF]  }
0x31: {  	[smem:$0x3FB8] =	sst s10  }
0x32: {  	s10 =	sld [smem:$0x3FB6];
	_ =	sdelay $0x3  }
0x33: {  	p0 =	seq.s32 s10, $0x1;
	s10 =	sld [smem:$0x3FB8];
	_ =	sdelay $0x3  }
0x34: {  	[smem:$0x3FB8] =	sst s10  }
0x35: {  	s10 =	sld [smem:$0x3FB7];
	_ =	sdelay $0x3  }
0x36: {  	p1 =	seq.s32 s10, $0x1;
	s10 =	sld [smem:$0x3FB8];
	_ =	sdelay $0x3  }
0x37: {  	[smem:$0x3FB8] =	sst s10  }
0x38: {  	s10 =	sld [smem:$0x3FB9]  }
0x39: {  	_ = 	snop;
	(pc) =	sbr.ind lr, $3  }
0x3a: {  	_ = 	snop  }
0x3b: {  	_ = 	snop  }
0x3c: {  	p2 =	seq.s32 s10, $0x1;
	s10 =	sld [smem:$0x3FB8]  }
0x3d: {  	_ =	shalt  }
0x3e: {  	_ =	shalt  }
0x3f: {  	_ =	shalt  }
0x40: {  	_ =	shalt  }
0x41: {  	_ =	shalt  }
0x42: {  	_ =	shalt  }
0x43: {  	_ =	shalt  }
0x44: {  	_ =	shalt  }
0x45: {  	_ =	shalt  }
0x46: {  	_ =	shalt  }
0x47: {  	_ =	shalt  }
0x48: {  	_ =	shalt  }
0x49: {  	_ =	shalt  }
0x4a: {  	_ =	shalt  }
0x4b: {  	_ =	shalt  }
0x4c: {  	_ =	shalt  }
0x4d: {  	_ =	shalt  }
0x4e: {  	_ =	shalt  }
0x4f: {  	_ =	shalt  }
0x50: {  	_ =	shalt  }
0x51: {  	_ =	shalt  }
0x52: {  	_ =	shalt  }
0x53: {  	_ =	shalt  }
0x54: {  	_ =	shalt  }
0x55: {  	_ =	shalt  }
0x56: {  	_ =	shalt  }
0x57: {  	_ =	shalt  }
0x58: {  	_ =	shalt  }
0x59: {  	_ =	shalt  }
0x5a: {  	_ =	shalt  }
0x5b: {  	_ =	shalt  }
0x5c: {  	_ =	shalt  }
0x5d: {  	_ =	shalt  }
0x5e: {  	_ =	shalt  }
0x5f: {  	_ =	shalt  }
0x60: {  	_ =	shalt  }
0x61: {  	_ =	shalt  }
0x62: {  	_ =	shalt  }
0x63: {  	_ =	shalt  }
0x64: {  	_ =	shalt  }
0x65: {  	_ =	shalt  }
0x66: {  	_ =	shalt  }
0x67: {  	_ =	shalt  }
0x68: {  	_ =	shalt  }
0x69: {  	_ =	shalt  }
0x6a: {  	_ =	shalt  }
0x6b: {  	_ =	shalt  }
0x6c: {  	_ =	shalt  }
0x6d: {  	_ =	shalt  }
0x6e: {  	_ =	shalt  }
0x6f: {  	_ =	shalt  }
0x70: {  	_ =	shalt  }
0x71: {  	_ =	shalt  }
0x72: {  	_ =	shalt  }
0x73: {  	_ =	shalt  }
0x74: {  	_ =	shalt  }
0x75: {  	_ =	shalt  }
0x76: {  	_ =	shalt  }
0x77: {  	_ =	shalt  }
0x78: {  	_ =	shalt  }
0x79: {  	_ =	shalt  }
0x7a: {  	_ =	shalt  }
0x7b: {  	_ =	shalt  }
0x7c: {  	_ =	shalt  }
0x7d: {  	_ =	shalt  }
0x7e: {  	_ =	shalt  }
0x7f: {  	_ =	shalt  }
0x80: {  	_ =	shalt  }
0x81: {  	_ =	shalt  }
0x82: {  	_ =	shalt  }
0x83: {  	_ =	shalt  }
0x84: {  	_ =	shalt  }
0x85: {  	_ =	shalt  }
0x86: {  	_ =	shalt  }
0x87: {  	_ =	shalt  }
.Lfunc_end0:
.L_simem_size_0:
called_computation_lowered:
.L_overlay_start_0:
0x88: {  	s2 =	sld [smem:$0x3FD9]  }
0x89: {  	s3 =	sld [smem:$0x3FFE];
	_ =	sdelay $0x1  }
0x8a: {  	s1 =	srdreg.scid  }
0x8b: {  	s0 =	sand.u32 $0x1, s1  }
0x8c: {  	s17 =	sshll.u32 s0, $0xA;
	s2 =	sadd.s32 s3, s2  }
0x8d: {  	s2 =	sadd.s32 s2, s17  }
0x8e: {  	[smem:$0x3FC4] =	sst s2  }
0x8f: {  	_ = 	snop  }
0x90: {  	s2 =	sld [smem:$0x3FD0];
	(tm) =	ssettm $0x1  }
0x91: {  	s18 =	sld [smem:$0x3FFB];
	_ =	sdelay $0x3  }
0x92: {  	_ =	strace s18  }
0x93: {  	s3 =	sld [smem:$0x3FFC];
	_ =	sdelay $0x3  }
0x94: {  	_ =	strace s3  }
0x95: {  	s3 =	sld [smem:$0x3FFD];
	_ =	sdelay $0x3  }
0x96: {  	_ =	strace s3  }
0x97: {  	_ =	strace $0x8FFFFFFF  }
0x98: {  	s19 =	sld [smem:$0x3FDB];
	_ =	sdelay $0x1  }
0x99: {  	s4 =	simm.s32 $_scs_section_size  }
0x9a: {  	s5 =	simm.s32 $_size__tile_overlayer_lowered;
	s6 =	simm.s32 $_tile_overlayer_lowered  }
0x9b: {  	s22 =	simm.s32 $0x1BFF;
	s21 =	sshll.u32 s6, $0x1;
	s3 =	sadd.s32 s4, s19  }
0x9c: {  	s7 =	simm.s32 $0x0;
	s20 =	sshll.u32 s5, $0x1;
	s5 =	sadd.s32 s21, s3  }
0x9d: {  	[timem:s7], [sflag:s22] =	dma.local [hbm:s5], s20  }
0x9e: {  	_ =	swait.ge [sflag:s22], s20  }
0x9f: {  	s4 =	ssub.s32 $0x0, s20;
	[sflag:s22] =	ssyncset.done $0x0  }
0xa0: {  	[sflag:s22] =	ssyncadd.s32 s4;
	_ =	sdelay $0x1  }
0xa1: {  	s23 =	simm.s32 $0x1B8B  }
0xa2: {  	_ =	swait.ge [sflag:s23], $0x1  }
0xa3: {  	[sflag:s23] =	ssyncset.done $0x0  }
0xa4: {  	s25 =	simm.s32 $0x1B8E;
	s24 =	sld [smem:$0x3FFE];
	[sflag:s23] =	ssyncadd.s32 $0xFFFFFFFF  }
0xa5: {  	s26 =	simm.s32 $execute0_lowered;
	[smem:$0x3FD2] =	sst s25  }
0xa6: {  	s5 =	sshll.u32 s26, $0x1;
	_ =	strace $0x80000046;
	[dreg:$0x1] =	wrdreg $0xFFFFFFFF  }
0xa7: {  	s28 =	simm.s32 $_size_execute0_lowered;
	s3 =	sadd.s32 s3, s5;
	[dreg:$0x0] =	wrdreg $0x0  }
0xa8: {  	s5 =	sshll.u32 s28, $0x1;
	[dreg:$0x2] =	wrdreg s3  }
0xa9: {  	[dreg:$0x3] =	wrdreg s5  }
0xaa: {  	[dreg:$0x4] =	wrdreg $0xC0  }
0xab: {  	_ =	task [dreg:s7], $0x5FFFF  }
0xac: {  	[dreg:$0x1] =	wrdreg $0xFFFFFFFF  }
0xad: {  	[dreg:$0x0] =	wrdreg $0x60  }
0xae: {  	[dreg:$0x2] =	wrdreg s24  }
0xaf: {  	[dreg:$0x3] =	wrdreg s2  }
0xb0: {  	[dreg:$0x4] =	wrdreg $0xC3000  }
0xb1: {  	[dreg:$0x5] =	wrdreg $0x9  }
0xb2: {  	_ =	task.clear_ibuf [dreg:s7], $0x6FFFF;
	_ =	strace $0x90000046  }
0xb3: {  	s29 =	simm.s32 $0x9;
	_ =	strace $0x80000048  }
0xb4: {  	_ =	swait.ge [sflag:s29], $0x1  }
0xb5: {  	[sflag:s29] =	ssyncadd.s32 $0xFFFFFFFF  }
0xb6: {  	_ =	strace $0x90000048  }
0xb7: {  	_ =	sfence  }
0xb8: {  	s30 =	sld [smem:$0x0];
	_ =	sdelay $0x2  }
0xb9: {  	s31 =	sshll.u32 s1, $0xD;
	s1 =	sshrl.u32 s1, $0x2  }
0xba: {  	s3 =	sand.u32 $0x4000, s31;
	s1 =	sadd.s32 s1, s30  }
0xbb: {  	s0 =	sor.u32 s3, s0;
	s1 =	sshll.u32 s1, $0x11  }
0xbc: {  	s0 =	sor.u32 s1, s0  }
0xbd: {  	s0 =	sadd.s32 $0x8F2B, s0  }
0xbe: {  	[sflag:s0] =	ssyncadd.remote.s32 $0x1  }
0xbf: {  	_ =	sfence.sel $0xFFFF  }
0xc0: {  	[dreg:$0x0] =	wrdreg $0xFFFFFFFF;
	(pc) =	sbr.abs _section_cstart, $3  }
0xc1: {  	[dreg:$0x1] =	wrdreg $0xFFFFFFFF  }
0xc2: {  	_ =	task.clear_ibuf [dreg:s7], $0x2FFFF;
	_ =	strace $0x9FFFFFFF  }
0xc3: {  	(tm) =	ssettm $0x7FFFFFFF  }
tec
execute0_lowered:
.L_overlay_start_1:
0x0: {  	(tag) =	ssettag $0x1  }
0x1: {  	s0 =	rddreg [dreg:$0x0]  }
0x2: {  	s9 =	rddreg [dreg:$0x1];
	s1 =	srdreg.scid  }
0x3: {  	s2 =	rddreg [dreg:$0x2];
	s31 =	stileid.u32;
	s3 =	simm.s32 $0x0  }
0x4: {  	s28 =	simm.s32 $0x8;
	s29 =	simm.s32 $0x9;
	s8 =	smul.u32 $0x13C00, s31  }
0x5: {  	s30 =	simm.s32 $0x0;
	s6 =	sand.u32 $0x1, s1;
	s11 =	smul.u32 $0x2880, s31  }
0x6: {  	[smem:$0x7FF] =	sst s3;
	s4 =	sadd.s32 $0x14C00, s0;
	s17 =	smul.u32 $0x4F000, s31  }
0x7: {  	s12 =	sadd.s32 $0xAA00, s0;
	s13 =	sadd.s32 $0x800, s0;
	s7 =	smul.u32 $0x13C000, s6  }
0x8: {  	s5 =	sadd.s32 $0x285C00, s0;
	s31 =	sshll.u32 s31, $0x6;
	s10 =	smul.u32 $0x28800, s6  }
0x9: {  	_ =	strace $0x80000047;
	[dreg:$0xc] =	wrdreg s5;
	s6 =	ssub.s32 $0x2, s6  }
0xa: {  	s15 =	sshrl.u32 s6, $0x1;
	s7 =	sadd.s32 s8, s7;
	s11 =	sadd.s32 s11, s10  }
0xb: {  	s16 =	ssub.s32 s6, s15;
	s6 =	sshrl.u32 s17, $0x2;
	s15 =	simm.s32 $0x100  }
0xc: {  	s17 =	simm.s32 $0x1;
	s7 =	sshrl.u32 s7, $0x3;
	s10 =	sadd.s32 $0x100, s11  }
0xd: {  	s14 =	sadd.s32 $0x80, s11;
	s23 =	sadd.s32 s6, s2;
	s26 =	sshrl.u32 s11, $0x3  }
0xe: {  	s6 =	sor.u32 $0x1C0A, s31;
	s11 =	simm.s32 $0xA;
	s0 =	sadd.s32 s7, s0  }
0xf: {  	s10 =	sshrl.u32 s10, $0x3;
	s21 =	sshrl.u32 s14, $0x3;
	s8 =	sadd.s32 s26, s13  }
0x10: {  	s14 =	simm.s32 $0x200;
	s18 =	sadd.s32 s10, s13;
	[dreg:$0xa] =	wrdreg s8  }
0x11: {  	s19 =	sadd.s32 s10, s12;
	s20 =	sadd.s32 s10, s9;
	[dreg:$0x4] =	wrdreg s18  }
0x12: {  	s22 =	sadd.s32 s21, s13;
	s24 =	sadd.s32 s21, s12;
	[dreg:$0x5] =	wrdreg s19  }
0x13: {  	s25 =	sadd.s32 s21, s9;
	s12 =	sadd.s32 s26, s12;
	[dreg:$0x6] =	wrdreg s20  }
0x14: {  	s0 =	sadd.s32 $0x288400, s0;
	s8 =	smax.u32 s16, $0x1;
	[dreg:$0x7] =	wrdreg s22  }
0x15: {  	s9 =	sadd.s32 s26, s9;
	s10 =	sshrl.u32 s23, $0x3;
	[dreg:$0x8] =	wrdreg s24  }
0x16: {  	s13 =	simm.s32 $0x80;
	s16 =	simm.s32 $0x280;
	[dreg:$0x9] =	wrdreg s25  }
0x17: {  	s21 =	simm.s32 $0x3;
	s23 =	simm.s32 $0x4;
	[dreg:$0xd] =	wrdreg s0  }
0x18: {  	s26 =	simm.s32 $0x7;
	[dreg:$0xb] =	wrdreg s12;
	s12 =	simm.s32 $0x180  }
0x19: {  	s18 =	simm.s32 $0x300;
	s19 =	simm.s32 $0x2;
	s20 =	simm.s32 $0x4300  }
0x1a: {  	s22 =	simm.s32 $0x8300;
	s24 =	simm.s32 $0x5;
	s25 =	simm.s32 $0x6  }
.LBB2_1:
0x1b: {  	s0 =	rddreg [dreg:$0xc]  }
0x1c: {  	[spmem:s10], [sflag:s6] =	dma.local [hbm:s0], $0x2780  }
0x1d: {  	_ =	swait.ge [sflag:s11], $0x2780  }
0x1e: {  	[sflag:s11] =	ssyncset.done $0x0  }
0x1f: {  	[sflag:s11] =	ssyncadd.s32 $0xFFFFD880  }
0x20: {  	[bflag:$0x0] =	sbarrier.arrive $0xFFFF  }
0x21: {  	s31 =	sadd.s32 $0x0, s9;
	s7 =	rddreg [dreg:$0xb]  }
0x22: {  	[tilespmem:s3], [sflag:$0x1] =	stream.linear.gather [hbm4b:s31+s3], $0x80, $0x38;
	[tilespmem:$0x1FF00] =	vst v63  }
0x23: {  	s1 =	rddreg [dreg:$0x9];
	s0 =	sadd.s32 $0x0, s7  }
0x24: {  	[tilespmem:s12], [sflag:$0x1] =	stream.linear.gather [hbm4b:s0+s3], $0x80, $0x38;
	[tilespmem:$0x1FF00] =	vst v63  }
0x25: {  	s31 =	rddreg [dreg:$0x8];
	s5 =	sadd.s32 $0x0, s1  }
0x26: {  	[tilespmem:s13], [sflag:$0x2] =	stream.linear.gather [hbm4b:s5+s3], $0x80, $0x38;
	[tilespmem:$0x1FF00] =	vst v63  }
0x27: {  	s7 =	rddreg [dreg:$0x6];
	s5 =	sadd.s32 $0x0, s31  }
0x28: {  	[tilespmem:s14], [sflag:$0x2] =	stream.linear.gather [hbm4b:s5+s3], $0x80, $0x38;
	[tilespmem:$0x1FF00] =	vst v63  }
0x29: {  	s7 =	sadd.s32 $0x0, s7;
	s31 =	rddreg [dreg:$0x5]  }
0x2a: {  	[tilespmem:s15], [sflag:$0x3] =	stream.linear.gather [hbm4b:s7+s3], $0x80, $0x38;
	[tilespmem:$0x1FF00] =	vst v63  }
0x2b: {  	s1 =	sadd.s32 $0x0, s31  }
0x2c: {  	[tilespmem:s16], [sflag:$0x3] =	stream.linear.gather [hbm4b:s1+s3], $0x80, $0x38;
	[tilespmem:$0x1FF00] =	vst v63  }
0x2d: {  	_ =	swait.ge [sflag:s17], $0x80  }
0x2e: {  	[sflag:s17] =	ssyncset.done $0x0  }
0x2f: {  	[sflag:s17] =	ssyncadd.s32 $0xFFFFFF80  }
0x30: {  	_ =	swait.ge [sflag:s17], $0x80  }
0x31: {  	[sflag:s17] =	ssyncset.done $0x0  }
0x32: {  	[sflag:s17] =	ssyncadd.s32 $0xFFFFFF80  }
0x33: {  	v0 =	vld [tilespmem:$0x1D0]  }
0x34: {  	v1 =	vld [tilespmem:$0x1C0]  }
0x35: {  	v2 =	vld [tilespmem:$0x1A0]  }
0x36: {  	v3 =	vld [tilespmem:$0x50]  }
0x37: {  	v4 =	vld [tilespmem:$0x1B0]  }
0x38: {  	v5 =	vld [tilespmem:$0x190]  }
0x39: {  	v6 =	vld [tilespmem:$0x30]  }
0x3a: {  	v7 =	vld [tilespmem:$0x40]  }
0x3b: {  	v8 =	vld [tilespmem:$0x1F0]  }
0x3c: {  	v9 =	vld [tilespmem:$0x70]  }
0x3d: {  	v10 =	vld [tilespmem:$0x10]  }
0x3e: {  	v11 =	vld [tilespmem:$0x20];
	v3 =	vmul.u32 $0x2710, v3  }
0x3f: {  	v12 =	vld [tilespmem:$0x60];
	v6 =	vmul.u32 $0x2710, v6  }
0x40: {  	v0 =	vadd.s32 v0, v3;
	v3 =	vmul.u32 $0x2710, v7;
	v7 =	vld [tilespmem:$0x0]  }
0x41: {  	[tilespmem:$0x50] =	vst v0;
	v0 =	vadd.s32 v4, v6;
	v4 =	vld [tilespmem:$0x1E0];
	v6 =	vmul.u32 $0x2710, v9  }
0x42: {  	[tilespmem:$0x30] =	vst v0;
	v0 =	vadd.s32 v1, v3;
	v1 =	vld [tilespmem:$0x180];
	v3 =	vmul.u32 $0x2710, v10  }
0x43: {  	[tilespmem:$0x40] =	vst v0;
	v0 =	vmul.u32 $0x2710, v11;
	v6 =	vadd.s32 v8, v6  }
0x44: {  	v3 =	vadd.s32 v5, v3;
	v5 =	vmul.u32 $0x2710, v12;
	[tilespmem:$0x70] =	vst v6  }
0x45: {  	v6 =	vmul.u32 $0x2710, v7;
	[tilespmem:$0x10] =	vst v3;
	v0 =	vadd.s32 v2, v0  }
0x46: {  	[tilespmem:$0x20] =	vst v0;
	v0 =	vadd.s32 v4, v5  }
0x47: {  	s5 =	rddreg [dreg:$0xa];
	v1 =	vadd.s32 v1, v6;
	[tilespmem:$0x60] =	vst v0  }
0x48: {  	s0 =	sadd.s32 $0x0, s5;
	[tilespmem:$0x0] =	vst v1  }
0x49: {  	[tilespmem:s12], [sflag:$0x1] =	stream.linear.gather [hbm4b:s0+s3], $0x80, $0x38;
	[tilespmem:$0x1FF00] =	vst v63  }
0x4a: {  	_ = 	snop  }
0x4b: {  	[tilespmem:s18], [sflag:$0x4] =	stream.indirect.gather [hbm4b:s4+s13], $0x80, s3, s13, $0xb8;
	[tilespmem:$0x1FF00] =	vst v63  }
0x4c: {  	_ =	swait.ge [sflag:s19], $0x80  }
0x4d: {  	[sflag:s19] =	ssyncset.done $0x0  }
0x4e: {  	[sflag:s19] =	ssyncadd.s32 $0xFFFFFF80  }
0x4f: {  	_ =	swait.ge [sflag:s19], $0x80  }
0x50: {  	[sflag:s19] =	ssyncset.done $0x0  }
0x51: {  	[sflag:s19] =	ssyncadd.s32 $0xFFFFFF80  }
0x52: {  	v0 =	vld [tilespmem:$0xE0]  }
0x53: {  	v1 =	vld [tilespmem:$0x220]  }
0x54: {  	v2 =	vld [tilespmem:$0x250]  }
0x55: {  	v3 =	vld [tilespmem:$0xD0]  }
0x56: {  	v4 =	vld [tilespmem:$0x260]  }
0x57: {  	v5 =	vld [tilespmem:$0x270]  }
0x58: {  	v6 =	vld [tilespmem:$0xF0]  }
0x59: {  	v7 =	vld [tilespmem:$0x210]  }
0x5a: {  	v8 =	vld [tilespmem:$0x240]  }
0x5b: {  	v58 =	vld [tilespmem:$0x90]  }
0x5c: {  	v59 =	vld [tilespmem:$0xC0]  }
0x5d: {  	v60 =	vld [tilespmem:$0xA0];
	v0 =	vmul.u32 $0x2710, v0  }
0x5e: {  	v61 =	vld [tilespmem:$0x80];
	v3 =	vmul.u32 $0x2710, v3  }
0x5f: {  	v0 =	vadd.s32 v4, v0;
	v4 =	vmul.u32 $0x2710, v6;
	v6 =	vld [tilespmem:$0xB0]  }
0x60: {  	v2 =	vadd.s32 v2, v3;
	v3 =	vmul.u32 $0x2710, v58;
	[tilespmem:$0xE0] =	vst v0;
	v0 =	vld [tilespmem:$0x200]  }
0x61: {  	[tilespmem:$0xD0] =	vst v2;
	v2 =	vadd.s32 v5, v4;
	v4 =	vld [tilespmem:$0x230];
	v5 =	vmul.u32 $0x2710, v59  }
0x62: {  	[tilespmem:$0xF0] =	vst v2;
	v2 =	vadd.s32 v7, v3;
	v3 =	vmul.u32 $0x2710, v60  }
0x63: {  	v7 =	vmul.u32 $0x2710, v61;
	[tilespmem:$0x90] =	vst v2;
	v2 =	vadd.s32 v8, v5  }
0x64: {  	v1 =	vadd.s32 v1, v3;
	v3 =	vmul.u32 $0x2710, v6;
	[tilespmem:$0xC0] =	vst v2  }
0x65: {  	v0 =	vadd.s32 v0, v7;
	[tilespmem:$0xA0] =	vst v1  }
0x66: {  	s7 =	rddreg [dreg:$0x7];
	[tilespmem:$0x80] =	vst v0;
	v0 =	vadd.s32 v4, v3  }
0x67: {  	s0 =	sadd.s32 $0x0, s7;
	[tilespmem:$0xB0] =	vst v0  }
0x68: {  	[tilespmem:s14], [sflag:$0x2] =	stream.linear.gather [hbm4b:s0+s3], $0x80, $0x38;
	[tilespmem:$0x1FF00] =	vst v63  }
0x69: {  	_ = 	snop  }
0x6a: {  	[tilespmem:s20], [sflag:$0x5] =	stream.indirect.gather [hbm4b:s4+s13], $0x80, s13, s13, $0xb8;
	[tilespmem:$0x1FF00] =	vst v63  }
0x6b: {  	_ =	swait.ge [sflag:s21], $0x80  }
0x6c: {  	[sflag:s21] =	ssyncset.done $0x0  }
0x6d: {  	[sflag:s21] =	ssyncadd.s32 $0xFFFFFF80  }
0x6e: {  	_ =	swait.ge [sflag:s21], $0x80  }
0x6f: {  	[sflag:s21] =	ssyncset.done $0x0  }
0x70: {  	[sflag:s21] =	ssyncadd.s32 $0xFFFFFF80  }
0x71: {  	v3 =	vld [tilespmem:$0x100]  }
0x72: {  	v2 =	vld [tilespmem:$0x110]  }
0x73: {  	v4 =	vld [tilespmem:$0x120]  }
0x74: {  	v5 =	vld [tilespmem:$0x290]  }
0x75: {  	v6 =	vld [tilespmem:$0x2A0]  }
0x76: {  	v0 =	vld [tilespmem:$0x2F0]  }
0x77: {  	v7 =	vld [tilespmem:$0x280]  }
0x78: {  	v1 =	vld [tilespmem:$0x2D0]  }
0x79: {  	v62 =	vld [tilespmem:$0x150];
	v8 =	vmul.u32 $0x2710, v2  }
0x7a: {  	v4 =	vmul.u32 $0x2710, v4;
	v2 =	vld [tilespmem:$0x140]  }
0x7b: {  	v63 =	vmul.u32 $0x2710, v3;
	v3 =	vadd.s32 v5, v8;
	v5 =	vld [tilespmem:$0x130]  }
0x7c: {  	v4 =	vadd.s32 v6, v4;
	[tilespmem:$0x110] =	vst v3;
	v3 =	vld [tilespmem:$0x170]  }
0x7d: {  	v6 =	vadd.s32 v7, v63;
	[tilespmem:$0x120] =	vst v4;
	v4 =	vld [tilespmem:$0x2B0]  }
0x7e: {  	s31 =	simm.s32 $0x0;
	s0 =	simm.s32 $0x30;
	v7 =	vmul.u32 $0x2710, v62;
	[tilespmem:$0x100] =	vst v6;
	v6 =	vld [tilespmem:$0x160]  }
.LBB2_2:
0x7f: {  	_ = 	snop  }
0x80: {  	v9 =	vld [tilespmem:$0x2C0]  }
0x81: {  	v8 =	vld [tilespmem:$0x2E0];
	v5 =	vmul.u32 $0x2710, v5;
	v1 =	vadd.s32 v1, v7  }
0x82: {  	[tilespmem:$0x150] =	vst v1;
	v1 =	vmul.u32 $0x2710, v3  }
0x83: {  	v2 =	vmul.u32 $0x2710, v2;
	v3 =	vadd.s32 v4, v5  }
0x84: {  	[tilespmem:$0x130] =	vst v3;
	v3 =	vmul.u32 $0x2710, v6;
	v0 =	vadd.s32 v0, v1  }
0x85: {  	[tilespmem:$0x170] =	vst v0;
	v0 =	vadd.s32 v9, v2  }
0x86: {  	s5 =	rddreg [dreg:$0x4];
	v1 =	vadd.s32 v8, v3;
	[tilespmem:$0x140] =	vst v0  }
0x87: {  	s5 =	sadd.s32 s31, s5;
	[tilespmem:$0x160] =	vst v1  }
0x88: {  	[tilespmem:s16], [sflag:$0x3] =	stream.linear.gather [hbm4b:s5+s3], $0x80, $0x38;
	[tilespmem:$0x1FF00] =	vst v63  }
0x89: {  	_ = 	snop  }
0x8a: {  	[tilespmem:s22], [sflag:$0x6] =	stream.indirect.gather [hbm4b:s4+s13], $0x80, s15, s13, $0xb8;
	[tilespmem:$0x1FF00] =	vst v63  }
0x8b: {  	_ =	swait.ge [sflag:s23], $0x4000  }
0x8c: {  	[sflag:s23] =	ssyncset.done $0x0  }
0x8d: {  	[sflag:s23] =	ssyncadd.s32 $0xFFFFC000  }
0x8e: {  	_ =	swait.ge [sflag:s17], $0x80  }
0x8f: {  	[sflag:s17] =	ssyncset.done $0x0  }
0x90: {  	[sflag:s17] =	ssyncadd.s32 $0xFFFFFF80  }
0x91: {  	[spmem:s2] =	stream.indirect.scatter.add.f32 [tilespmem:s18], [sflag:$0x7], $0x80, s12, s13, $0xb8;
	[tilespmem:$0x1FF00] =	vst v63  }
0x92: {  	_ =	swait.ge [sflag:s24], $0x4000  }
0x93: {  	[sflag:s24] =	ssyncset.done $0x0  }
0x94: {  	[sflag:s24] =	ssyncadd.s32 $0xFFFFC000  }
0x95: {  	_ =	swait.ge [sflag:s19], $0x80  }
0x96: {  	[sflag:s19] =	ssyncset.done $0x0  }
0x97: {  	[sflag:s19] =	ssyncadd.s32 $0xFFFFFF80  }
0x98: {  	[spmem:s2] =	stream.indirect.scatter.add.f32 [tilespmem:s20], [sflag:$0x8], $0x80, s14, s13, $0xb8;
	[tilespmem:$0x1FF00] =	vst v63  }
0x99: {  	_ =	swait.ge [sflag:s25], $0x4000  }
0x9a: {  	[sflag:s25] =	ssyncset.done $0x0  }
0x9b: {  	[sflag:s25] =	ssyncadd.s32 $0xFFFFC000  }
0x9c: {  	_ =	swait.ge [sflag:s21], $0x80  }
0x9d: {  	[sflag:s21] =	ssyncset.done $0x0  }
0x9e: {  	[sflag:s21] =	ssyncadd.s32 $0xFFFFFF80  }
0x9f: {  	[spmem:s2] =	stream.indirect.scatter.add.f32 [tilespmem:s22], [sflag:$0x9], $0x80, s16, s13, $0xb8;
	[tilespmem:$0x1FF00] =	vst v63  }
0xa0: {  	_ =	swait.ge [sflag:s26], $0x4000  }
0xa1: {  	[sflag:s26] =	ssyncset.done $0x0  }
0xa2: {  	[sflag:s26] =	ssyncadd.s32 $0xFFFFC000  }
0xa3: {  	_ =	swait.ge [sflag:s28], $0x4000  }
0xa4: {  	[sflag:s28] =	ssyncset.done $0x0  }
0xa5: {  	[sflag:s28] =	ssyncadd.s32 $0xFFFFC000  }
0xa6: {  	s1 =	smov.u32 s0;
	_ =	swait.ge [sflag:s29], $0x4000  }
0xa7: {  	s31 =	smov.u32 s1;
	[sflag:s29] =	ssyncset.done $0x0  }
0xa8: {  	s5 =	sadd.s32 s31, s9;
	s1 =	rddreg [dreg:$0xb];
	[sflag:s29] =	ssyncadd.s32 $0xFFFFC000  }
0xa9: {  	[tilespmem:s3], [sflag:$0x1] =	stream.linear.gather [hbm4b:s5+s3], $0x80, $0x38;
	[tilespmem:$0x1FF00] =	vst v63  }
0xaa: {  	s7 =	rddreg [dreg:$0x9];
	s1 =	sadd.s32 s31, s1  }
0xab: {  	[tilespmem:s12], [sflag:$0x1] =	stream.linear.gather [hbm4b:s1+s3], $0x80, $0x38;
	[tilespmem:$0x1FF00] =	vst v63  }
0xac: {  	s5 =	rddreg [dreg:$0x8];
	s1 =	sadd.s32 s31, s7  }
0xad: {  	[tilespmem:s13], [sflag:$0x2] =	stream.linear.gather [hbm4b:s1+s3], $0x80, $0x38;
	[tilespmem:$0x1FF00] =	vst v63  }
0xae: {  	s7 =	rddreg [dreg:$0x6];
	s1 =	sadd.s32 s31, s5  }
0xaf: {  	[tilespmem:s14], [sflag:$0x2] =	stream.linear.gather [hbm4b:s1+s3], $0x80, $0x38;
	[tilespmem:$0x1FF00] =	vst v63  }
0xb0: {  	s7 =	sadd.s32 s31, s7;
	s5 =	rddreg [dreg:$0x5]  }
0xb1: {  	[tilespmem:s15], [sflag:$0x3] =	stream.linear.gather [hbm4b:s7+s3], $0x80, $0x38;
	[tilespmem:$0x1FF00] =	vst v63  }
0xb2: {  	s7 =	sadd.s32 s31, s5  }
0xb3: {  	[tilespmem:s16], [sflag:$0x3] =	stream.linear.gather [hbm4b:s7+s3], $0x80, $0x38;
	[tilespmem:$0x1FF00] =	vst v63  }
0xb4: {  	_ =	swait.ge [sflag:s17], $0x80  }
0xb5: {  	[sflag:s17] =	ssyncset.done $0x0  }
0xb6: {  	[sflag:s17] =	ssyncadd.s32 $0xFFFFFF80  }
0xb7: {  	_ =	swait.ge [sflag:s17], $0x80  }
0xb8: {  	[sflag:s17] =	ssyncset.done $0x0  }
0xb9: {  	[sflag:s17] =	ssyncadd.s32 $0xFFFFFF80  }
0xba: {  	v0 =	vld [tilespmem:$0x1D0]  }
0xbb: {  	v1 =	vld [tilespmem:$0x1C0]  }
0xbc: {  	v2 =	vld [tilespmem:$0x1A0]  }
0xbd: {  	v3 =	vld [tilespmem:$0x50]  }
0xbe: {  	v4 =	vld [tilespmem:$0x1B0]  }
0xbf: {  	v5 =	vld [tilespmem:$0x190]  }
0xc0: {  	v6 =	vld [tilespmem:$0x30]  }
0xc1: {  	v7 =	vld [tilespmem:$0x40]  }
0xc2: {  	v8 =	vld [tilespmem:$0x1F0]  }
0xc3: {  	v61 =	vld [tilespmem:$0x70];
	v3 =	vmul.u32 $0x2710, v3  }
0xc4: {  	v10 =	vld [tilespmem:$0x10]  }
0xc5: {  	v6 =	vmul.u32 $0x2710, v6;
	v0 =	vadd.s32 v0, v3;
	v3 =	vld [tilespmem:$0x20]  }
0xc6: {  	[tilespmem:$0x50] =	vst v0;
	v0 =	vmul.u32 $0x2710, v7;
	v7 =	vld [tilespmem:$0x60]  }
0xc7: {  	v11 =	vld [tilespmem:$0x0];
	v4 =	vadd.s32 v4, v6  }
0xc8: {  	[tilespmem:$0x30] =	vst v4;
	v4 =	vmul.u32 $0x2710, v61;
	v0 =	vadd.s32 v1, v0;
	v1 =	vld [tilespmem:$0x1E0]  }
0xc9: {  	v62 =	vmul.u32 $0x2710, v10;
	v6 =	vld [tilespmem:$0x180]  }
0xca: {  	[tilespmem:$0x40] =	vst v0;
	v0 =	vmul.u32 $0x2710, v3;
	v3 =	vadd.s32 v8, v4  }
0xcb: {  	v4 =	vadd.s32 v5, v62;
	v5 =	vmul.u32 $0x2710, v7;
	[tilespmem:$0x70] =	vst v3  }
0xcc: {  	v3 =	vmul.u32 $0x2710, v11;
	[tilespmem:$0x10] =	vst v4;
	v0 =	vadd.s32 v2, v0  }
0xcd: {  	[tilespmem:$0x20] =	vst v0;
	v0 =	vadd.s32 v1, v5  }
0xce: {  	s5 =	rddreg [dreg:$0xa];
	v1 =	vadd.s32 v6, v3;
	[tilespmem:$0x60] =	vst v0  }
0xcf: {  	s1 =	sadd.s32 s31, s5;
	[tilespmem:$0x0] =	vst v1  }
0xd0: {  	[tilespmem:s12], [sflag:$0x1] =	stream.linear.gather [hbm4b:s1+s3], $0x80, $0x38;
	[tilespmem:$0x1FF00] =	vst v63  }
0xd1: {  	_ = 	snop  }
0xd2: {  	[tilespmem:s18], [sflag:$0x4] =	stream.indirect.gather [hbm4b:s4+s13], $0x80, s3, s13, $0xb8;
	[tilespmem:$0x1FF00] =	vst v63  }
0xd3: {  	_ =	swait.ge [sflag:s19], $0x80  }
0xd4: {  	[sflag:s19] =	ssyncset.done $0x0  }
0xd5: {  	[sflag:s19] =	ssyncadd.s32 $0xFFFFFF80  }
0xd6: {  	_ =	swait.ge [sflag:s19], $0x80  }
0xd7: {  	[sflag:s19] =	ssyncset.done $0x0  }
0xd8: {  	[sflag:s19] =	ssyncadd.s32 $0xFFFFFF80  }
0xd9: {  	v0 =	vld [tilespmem:$0xE0]  }
0xda: {  	v1 =	vld [tilespmem:$0x220]  }
0xdb: {  	v2 =	vld [tilespmem:$0x250]  }
0xdc: {  	v3 =	vld [tilespmem:$0xD0]  }
0xdd: {  	v4 =	vld [tilespmem:$0x260]  }
0xde: {  	v5 =	vld [tilespmem:$0x270]  }
0xdf: {  	v6 =	vld [tilespmem:$0xF0]  }
0xe0: {  	v7 =	vld [tilespmem:$0x210]  }
0xe1: {  	v8 =	vld [tilespmem:$0x240];
	v0 =	vmul.u32 $0x2710, v0  }
0xe2: {  	v63 =	vld [tilespmem:$0x90];
	v3 =	vmul.u32 $0x2710, v3  }
0xe3: {  	v0 =	vadd.s32 v4, v0;
	v4 =	vld [tilespmem:$0xC0]  }
0xe4: {  	v2 =	vadd.s32 v2, v3;
	[tilespmem:$0xE0] =	vst v0;
	v0 =	vld [tilespmem:$0xA0]  }
0xe5: {  	v3 =	vld [tilespmem:$0x80];
	[tilespmem:$0xD0] =	vst v2;
	v2 =	vmul.u32 $0x2710, v6  }
0xe6: {  	v6 =	vld [tilespmem:$0xB0]  }
0xe7: {  	v9 =	vmul.u32 $0x2710, v63;
	v2 =	vadd.s32 v5, v2;
	v5 =	vld [tilespmem:$0x200]  }
0xe8: {  	[tilespmem:$0xF0] =	vst v2;
	v2 =	vld [tilespmem:$0x230];
	v4 =	vmul.u32 $0x2710, v4  }
0xe9: {  	v7 =	vadd.s32 v7, v9;
	v0 =	vmul.u32 $0x2710, v0  }
0xea: {  	[tilespmem:$0x90] =	vst v7;
	v3 =	vmul.u32 $0x2710, v3;
	v4 =	vadd.s32 v8, v4  }
0xeb: {  	v0 =	vadd.s32 v1, v0;
	v1 =	vmul.u32 $0x2710, v6;
	[tilespmem:$0xC0] =	vst v4  }
0xec: {  	v3 =	vadd.s32 v5, v3;
	[tilespmem:$0xA0] =	vst v0  }
0xed: {  	s7 =	rddreg [dreg:$0x7];
	[tilespmem:$0x80] =	vst v3;
	v0 =	vadd.s32 v2, v1  }
0xee: {  	s1 =	sadd.s32 s31, s7;
	[tilespmem:$0xB0] =	vst v0  }
0xef: {  	[tilespmem:s14], [sflag:$0x2] =	stream.linear.gather [hbm4b:s1+s3], $0x80, $0x38;
	[tilespmem:$0x1FF00] =	vst v63  }
0xf0: {  	_ = 	snop  }
0xf1: {  	[tilespmem:s20], [sflag:$0x5] =	stream.indirect.gather [hbm4b:s4+s13], $0x80, s13, s13, $0xb8;
	[tilespmem:$0x1FF00] =	vst v63  }
0xf2: {  	_ =	swait.ge [sflag:s21], $0x80  }
0xf3: {  	[sflag:s21] =	ssyncset.done $0x0  }
0xf4: {  	[sflag:s21] =	ssyncadd.s32 $0xFFFFFF80  }
0xf5: {  	_ =	swait.ge [sflag:s21], $0x80  }
0xf6: {  	[sflag:s21] =	ssyncset.done $0x0  }
0xf7: {  	[sflag:s21] =	ssyncadd.s32 $0xFFFFFF80  }
0xf8: {  	v0 =	vld [tilespmem:$0x100]  }
0xf9: {  	v1 =	vld [tilespmem:$0x110]  }
0xfa: {  	v2 =	vld [tilespmem:$0x120]  }
0xfb: {  	v3 =	vld [tilespmem:$0x290]  }
0xfc: {  	v4 =	vld [tilespmem:$0x2A0]  }
0xfd: {  	v7 =	vld [tilespmem:$0x280]  }
0xfe: {  	v8 =	vld [tilespmem:$0x150]  }
0xff: {  	v5 =	vld [tilespmem:$0x130];
	v1 =	vmul.u32 $0x2710, v1  }
0x100: {  	p0 =	sne.s32 s0, $0x4E0;
	v6 =	vmul.u32 $0x2710, v0;
	v0 =	vld [tilespmem:$0x2F0];
	v2 =	vmul.u32 $0x2710, v2  }
.Ltmp0:
0x101: {  	v3 =	vadd.s32 v3, v1;
	v1 =	vld [tilespmem:$0x2D0];
	(pc) =	sbr.rel @p0 .LBB2_2-.Ltmp0, $4  }
0x102: {  	v2 =	vadd.s32 v4, v2;
	v4 =	vadd.s32 v7, v6;
	v6 =	vld [tilespmem:$0x160]  }
0x103: {  	[tilespmem:$0x120] =	vst v2;
	v2 =	vld [tilespmem:$0x140]  }
0x104: {  	[tilespmem:$0x110] =	vst v3;
	v3 =	vld [tilespmem:$0x170]  }
0x105: {  	s0 =	sadd.s32 $0x30, s0;
	v7 =	vmul.u32 $0x2710, v8;
	[tilespmem:$0x100] =	vst v4;
	v4 =	vld [tilespmem:$0x2B0]  }
0x106: {  	_ = 	snop  }
0x107: {  	v8 =	vld [tilespmem:$0x2E0]  }
0x108: {  	v5 =	vmul.u32 $0x2710, v5;
	v9 =	vld [tilespmem:$0x2C0]  }
0x109: {  	v1 =	vadd.s32 v1, v7;
	v3 =	vmul.u32 $0x2710, v3  }
0x10a: {  	v61 =	vmul.u32 $0x2710, v6;
	[tilespmem:$0x150] =	vst v1;
	v60 =	vadd.s32 v4, v5  }
0x10b: {  	v2 =	vmul.u32 $0x2710, v2;
	[tilespmem:$0x130] =	vst v60;
	v0 =	vadd.s32 v0, v3  }
0x10c: {  	v62 =	vadd.s32 v8, v61;
	[tilespmem:$0x170] =	vst v0  }
0x10d: {  	s0 =	rddreg [dreg:$0x4];
	v63 =	vadd.s32 v9, v2;
	[tilespmem:$0x160] =	vst v62  }
0x10e: {  	s0 =	sadd.s32 s31, s0;
	[tilespmem:$0x140] =	vst v63  }
0x10f: {  	[tilespmem:s16], [sflag:$0x3] =	stream.linear.gather [hbm4b:s0+s3], $0x80, $0x38;
	[tilespmem:$0x1FF00] =	vst v63  }
0x110: {  	_ = 	snop  }
0x111: {  	[tilespmem:s22], [sflag:$0x6] =	stream.indirect.gather [hbm4b:s4+s13], $0x80, s15, s13, $0xb8;
	[tilespmem:$0x1FF00] =	vst v63  }
0x112: {  	_ =	swait.ge [sflag:s23], $0x4000  }
0x113: {  	[sflag:s23] =	ssyncset.done $0x0  }
0x114: {  	[sflag:s23] =	ssyncadd.s32 $0xFFFFC000  }
0x115: {  	_ =	swait.ge [sflag:s17], $0x80  }
0x116: {  	[sflag:s17] =	ssyncset.done $0x0  }
0x117: {  	[sflag:s17] =	ssyncadd.s32 $0xFFFFFF80  }
0x118: {  	[spmem:s2] =	stream.indirect.scatter.add.f32 [tilespmem:s18], [sflag:$0x7], $0x80, s12, s13, $0xb8;
	[tilespmem:$0x1FF00] =	vst v63  }
0x119: {  	_ =	swait.ge [sflag:s24], $0x4000  }
0x11a: {  	[sflag:s24] =	ssyncset.done $0x0  }
0x11b: {  	[sflag:s24] =	ssyncadd.s32 $0xFFFFC000  }
0x11c: {  	_ =	swait.ge [sflag:s19], $0x80  }
0x11d: {  	[sflag:s19] =	ssyncset.done $0x0  }
0x11e: {  	[sflag:s19] =	ssyncadd.s32 $0xFFFFFF80  }
0x11f: {  	[spmem:s2] =	stream.indirect.scatter.add.f32 [tilespmem:s20], [sflag:$0x8], $0x80, s14, s13, $0xb8;
	[tilespmem:$0x1FF00] =	vst v63  }
0x120: {  	_ =	swait.ge [sflag:s25], $0x4000  }
0x121: {  	[sflag:s25] =	ssyncset.done $0x0  }
0x122: {  	[sflag:s25] =	ssyncadd.s32 $0xFFFFC000  }
0x123: {  	_ =	swait.ge [sflag:s21], $0x80  }
0x124: {  	[sflag:s21] =	ssyncset.done $0x0  }
0x125: {  	[sflag:s21] =	ssyncadd.s32 $0xFFFFFF80  }
0x126: {  	[spmem:s2] =	stream.indirect.scatter.add.f32 [tilespmem:s22], [sflag:$0x9], $0x80, s16, s13, $0xb8;
	[tilespmem:$0x1FF00] =	vst v63  }
0x127: {  	_ =	swait.ge [sflag:s26], $0x4000  }
0x128: {  	[sflag:s26] =	ssyncset.done $0x0  }
0x129: {  	[sflag:s26] =	ssyncadd.s32 $0xFFFFC000  }
0x12a: {  	_ =	swait.ge [sflag:s28], $0x4000  }
0x12b: {  	[sflag:s28] =	ssyncset.done $0x0  }
0x12c: {  	[sflag:s28] =	ssyncadd.s32 $0xFFFFC000  }
0x12d: {  	_ =	swait.ge [sflag:s29], $0x4000  }
0x12e: {  	[sflag:s29] =	ssyncset.done $0x0  }
0x12f: {  	s30 =	sadd.s32 $0x1, s30;
	[sflag:s29] =	ssyncadd.s32 $0xFFFFC000  }
0x130: {  	p0 =	sne.s32 s30, s8;
	[bflag:$0x0] =	sbarrier.arrive $0xFFFF  }
.Ltmp1:
0x131: {  	s31 =	rddreg [dreg:$0xd];
	(pc) =	sbr.rel @p0 .LBB2_1-.Ltmp1, $4  }
0x132: {  	[hbm:s31], [sflag:s6] =	dma.local [spmem:s10], $0x2780  }
0x133: {  	_ =	swait.ge [sflag:s11], $0x2780  }
0x134: {  	[sflag:s11] =	ssyncset.done $0x0  }
0x135: {  	[sflag:s11] =	ssyncadd.s32 $0xFFFFD880  }
0x136: {  	_ =	sfence.sel $0x180000  }
0x137: {  	[bflag:$0x0] =	sbarrier.arrive $0xFFFF  }
0x138: {  	_ =	strace $0x90000047  }
0x139: {  	s0 =	stileid.u32;
	[bflag:$0x2] =	sbarrier.arrive $0xFFFF  }
0x13a: {  	p0 =	sne.s32 s0, $0x0;
	s0 =	rddreg [dreg:$0x3]  }
0x13b: {  	s0 =	sadd.s32 @!p0 $0x100000, s0  }
0x13c: {  	[sflag:s0] =	ssyncadd.tile.s32 @!p0 $0x1;
	_ =	shalt  }
.Lfunc_end2:
_tile_overlayer_lowered:
.L_overlay_start_2:
0x13d: {  	(tag) =	ssettag $0x2  }
0x13e: {  	s0 =	rddreg [dreg:$0x0];
	s2 =	stileid.u32  }
0x13f: {  	s1 =	rddreg [dreg:$0x1];
	p0 =	sne.s32 s2, $0x0  }
0x140: {  	s3 =	rddreg [dreg:$0x2];
	[bflag:$0x3] =	sbarrier.arrive $0xFFFF;
	s2 =	simm.s32 @!p0 $0x1C0A  }
0x141: {  	[timem:s3], [sflag:s2] =	dma.local @!p0 [hbm:s0], s1  }
0x142: {  	s0 =	simm.s32 @!p0 $0xA  }
0x143: {  	_ =	swait.ge @!p0 [sflag:s0], s1  }
0x144: {  	s1 =	ssub.s32 @!p0 $0x0, s1;
	[sflag:s0] =	ssyncset.done @!p0 $0x0  }
0x145: {  	[sflag:s0] =	ssyncadd.s32 @!p0 s1  }
0x146: {  	[bflag:$0x3] =	sbarrier.arrive $0xFFFF  }
0x147: {  	_ =	shalt  }

</sc_bundles>
